<compile_context>
chip_gen: v7x
topology: tpu7x:2x2x1
jax: 0.10.2.dev20260603
libtpu: 0.0.44.dev20260713+nightly
codegen_flags: <defaults>
</compile_context>

<pallas_src>
import functools

import numpy as np
import jax
import jax.numpy as jnp
from jax import lax
from jax.experimental import pallas as pl
from jax.experimental.pallas import tpu as pltpu
from jax.experimental.pallas import tpu_sc as plsc

D_MODEL = 128
MAX_LEN = 200
IDXW = 100
NBUF = 4
NUM_WORKERS = 32


def _positional_encoding(max_len, d_model):
    pos = np.arange(max_len, dtype=np.float32)[:, None]
    div = np.exp(
        np.arange(0, d_model, 2, dtype=np.float32)
        * (-(np.log(10000.0)) / d_model)
    )
    ang = pos * div
    pe = np.zeros((max_len, d_model), dtype=np.float32)
    pe[:, 0::2] = np.sin(ang)
    pe[:, 1::2] = np.cos(ang)
    return pe


@functools.lru_cache(maxsize=None)
def _make_kernel(batch, seq_len):
    seqs_per_w = batch // NUM_WORKERS
    halves = seq_len // IDXW

    mesh = plsc.VectorSubcoreMesh(core_axis_name="c", subcore_axis_name="s")

    @functools.partial(
        pl.kernel,
        mesh=mesh,
        out_type=jax.ShapeDtypeStruct((batch, seq_len, D_MODEL), jnp.float32),
        scratch_types=[
            pltpu.VMEM((seqs_per_w * halves, IDXW), jnp.int32),
            pltpu.VMEM_SHARED((seq_len, D_MODEL), jnp.float32),
            pltpu.VMEM((NBUF, seq_len, D_MODEL), jnp.float32),
            pltpu.SemaphoreType.DMA((NBUF,)),
            pltpu.SemaphoreType.DMA((NBUF,)),
            pltpu.SemaphoreType.DMA((NBUF,)),
        ],
    )
    def k(idx_hbm, table_hbm, pe_hbm, out_hbm, idx_v, pe_v, rows_v, sem_g, sem_w, sem_p):
        wid = lax.axis_index("s") * 2 + lax.axis_index("c")
        bbase = wid * seqs_per_w

        @pl.when(lax.axis_index("s") == 0)
        def _():
            pltpu.sync_copy(pe_hbm, pe_v)

        plsc.subcore_barrier()
        pltpu.sync_copy(
            idx_hbm.at[pl.ds(bbase * halves, seqs_per_w * halves)], idx_v
        )

        def prefill(b):
            pltpu.async_copy(pe_v, rows_v.at[b], sem_p.at[b])

        def gather_seq(c, b):
            for h in range(halves):
                pltpu.async_copy(
                    table_hbm.at[idx_v.at[halves * c + h]],
                    rows_v.at[b, pl.ds(h * IDXW, IDXW)],
                    sem_g.at[b],
                    add=True,
                )

        def wait_prefill(b):
            pltpu.make_async_copy(pe_v, rows_v.at[b], sem_p.at[b]).wait()

        for b in range(3):
            prefill(b)
        for b in range(2):
            wait_prefill(b)
            gather_seq(b, b)

        def quad_body(p, carry):
            for b in range(NBUF):
                c = NBUF * p + b

                n3 = c + 3
                s3 = (b + 3) % NBUF

                @pl.when(n3 < seqs_per_w)
                def _():
                    @pl.when(n3 >= NBUF)
                    def _():
                        pltpu.make_async_copy(
                            rows_v.at[s3], out_hbm.at[0], sem_w.at[s3]
                        ).wait()

                    prefill(s3)

                n2 = c + 2
                s2 = (b + 2) % NBUF

                @pl.when(n2 < seqs_per_w)
                def _():
                    wait_prefill(s2)
                    gather_seq(n2, s2)

                pltpu.make_async_copy(
                    out_hbm.at[0], rows_v.at[b], sem_g.at[b]
                ).wait()
                pltpu.async_copy(
                    rows_v.at[b], out_hbm.at[bbase + c], sem_w.at[b]
                )
            return carry

        lax.fori_loop(0, seqs_per_w // NBUF, quad_body, 0)

        for b in range(NBUF):
            pltpu.make_async_copy(
                rows_v.at[b], out_hbm.at[0], sem_w.at[b]
            ).wait()

    return k


_PE = _positional_encoding(MAX_LEN, D_MODEL)


def kernel(x, table):
    batch, seq_len = x.shape
    idx = x.reshape(-1, IDXW).astype(jnp.int32)
    pe = jnp.asarray(_PE[:seq_len])
    k = _make_kernel(batch, seq_len)
    return k(idx, table, pe)

# --- scband reference (transcript-rebuilt; emitter-appended) ---
"""Pipeline reference for scband-transform-embedding-67645734912897 (READ-ONLY COPY).

The authoritative reference and input builder live on the scoring server;
editing this copy changes nothing except your own understanding.
"""

import jax, jax.numpy as jnp
import numpy as np

VOCAB = 100000
D_MODEL = 128
MAX_LEN = 200
BATCH = 1024
SEQ_LEN = 200


def _positional_encoding(max_len, d_model):
    pos = jnp.arange(max_len, dtype=jnp.float32)[:, None]
    div = jnp.exp(jnp.arange(0, d_model, 2, dtype=jnp.float32) * (-(np.log(10000.0)) / d_model))
    ang = pos * div
    pe = jnp.zeros((max_len, d_model), dtype=jnp.float32)
    pe = pe.at[:, 0::2].set(jnp.sin(ang))
    pe = pe.at[:, 1::2].set(jnp.cos(ang))
    return pe


def setup_inputs(seed: int = 0) -> dict:
    key = jax.random.key(seed)
    k1, k2 = jax.random.split(key)
    x = jax.random.randint(k1, (BATCH, SEQ_LEN), 0, VOCAB, dtype=jnp.int64 if jax.config.jax_enable_x64 else jnp.int32)
    table = jax.random.normal(k2, (VOCAB, D_MODEL), dtype=jnp.float32) * 0.02
    # padding_idx=1: embedding row 1 is zeros
    table = table.at[1].set(0.0)
    return {"x": x, "table": table}


def reference(x, table):
    # TokenEmbedding: gather rows from the embedding table
    tok_emb = jnp.take(table, x, axis=0)  # [B, L, d_model]
    # PositionalEncoding: sinusoidal PE sliced to seq_len (eval mode, dropout = identity)
    pe = _positional_encoding(MAX_LEN, D_MODEL)[:x.shape[1]]  # [L, d_model]
    out = tok_emb + pe[None, :, :]
    # nn.Dropout in eval mode is identity
    return out

if __name__ == "__main__":
    import jax
    _d = setup_inputs()
    print(jax.jit(kernel)(*tuple(_d.values())))

</pallas_src>

<mosaic_0001>
#map = affine_map<(d0, d1) -> (0, 0)>
#map1 = affine_map<(d0, d1) -> (0, 0, 0)>
module attributes {stable_mosaic.version = 14 : i64} {
  func.func @k(%arg0: i32, %arg1: i32, %arg2: memref<2048x100xi32, #tpu.memory_space<hbm>>, %arg3: memref<100000x128xf32, #tpu.memory_space<hbm>>, %arg4: memref<200x128xf32, #tpu.memory_space<hbm>>, %arg5: memref<1024x200x128xf32, #tpu.memory_space<hbm>>, %arg6: memref<64x100xi32, #tpu.memory_space<vmem>>, %arg7: memref<200x128xf32, #tpu.memory_space<vmem_shared>>, %arg8: memref<4x200x128xf32, #tpu.memory_space<vmem>>, %arg9: memref<4x!tpu.dma_semaphore, #tpu.memory_space<semaphore_mem>>, %arg10: memref<4x!tpu.dma_semaphore, #tpu.memory_space<semaphore_mem>>, %arg11: memref<4x!tpu.dma_semaphore, #tpu.memory_space<semaphore_mem>>) attributes {dimension_semantics = [#tpu.dimension_semantics<core_parallel>, #tpu.dimension_semantics<subcore_parallel>], iteration_bounds = array<i64: 2, 16>, scalar_prefetch = 0 : i64, scratch_operands = 6 : i64, tpu.core_type = #tpu.core_type<sc_vector_subcore>, window_params = [{transform_indices = #map}, {transform_indices = #map}, {transform_indices = #map}, {transform_indices = #map1}]} {
    %mul3A = arith.constant 2 : i32
    %mul3A_0 = arith.muli %arg1, %mul3A : i32
    %add3A = arith.addi %mul3A_0, %arg0 : i32
    %mul3A_1 = arith.constant 32 : i32
    %mul3A_2 = arith.muli %add3A, %mul3A_1 : i32
    %eq3A = arith.constant 0 : i32
    %eq3A_3 = arith.cmpi eq, %arg1, %eq3A : i32
    %convert_element_type3A = arith.extui %eq3A_3 : i1 to i32
    %cond3A = arith.constant 0 : i32
    %cond3A_4 = arith.cmpi ne, %convert_element_type3A, %cond3A : i32
    scf.if %cond3A_4 {
      "tpu.region"() ({
        %run_scoped3A = tpu.sem_alloc : memref<!tpu.dma_semaphore, #tpu.memory_space<semaphore_mem>>
        tpu.enqueue_dma source(%arg4 : memref<200x128xf32, #tpu.memory_space<hbm>>) target(%arg7 : memref<200x128xf32, #tpu.memory_space<vmem_shared>>) target_semaphore(%run_scoped3A : memref<!tpu.dma_semaphore, #tpu.memory_space<semaphore_mem>>)
        tpu.wait_dma2 semaphore(%run_scoped3A : memref<!tpu.dma_semaphore, #tpu.memory_space<semaphore_mem>>) src(%arg4 : memref<200x128xf32, #tpu.memory_space<hbm>>) dst(%arg7 : memref<200x128xf32, #tpu.memory_space<vmem_shared>>)
        tpu.yield
      }) : () -> ()
    } else {
    }
    %barrier3A = arith.constant 0 : index
    tpu.barrier barrier_id(%barrier3A)
    %mul3A_5 = arith.constant 2 : i32
    %mul3A_6 = arith.muli %mul3A_2, %mul3A_5 : i32
    "tpu.region"() ({
      %run_scoped3A = tpu.sem_alloc : memref<!tpu.dma_semaphore, #tpu.memory_space<semaphore_mem>>
      %dma_start3A_214 = arith.constant 0 : i32
      %dma_start3A_215 = tpu.memref_slice %arg2[%mul3A_6, %dma_start3A_214] : memref<2048x100xi32, #tpu.memory_space<hbm>> -> memref<64x100xi32, #tpu.memory_space<hbm>>
      %dma_start3A_216 = arith.constant 0 : i32
      %dma_start3A_217 = tpu.memref_slice %arg2[%mul3A_6, %dma_start3A_216] : memref<2048x100xi32, #tpu.memory_space<hbm>> -> memref<64x100xi32, #tpu.memory_space<hbm>>
      tpu.enqueue_dma source(%dma_start3A_217 : memref<64x100xi32, #tpu.memory_space<hbm>>) target(%arg6 : memref<64x100xi32, #tpu.memory_space<vmem>>) target_semaphore(%run_scoped3A : memref<!tpu.dma_semaphore, #tpu.memory_space<semaphore_mem>>)
      %dma_wait3A_218 = arith.constant 0 : i32
      %dma_wait3A_219 = tpu.memref_slice %arg2[%mul3A_6, %dma_wait3A_218] : memref<2048x100xi32, #tpu.memory_space<hbm>> -> memref<64x100xi32, #tpu.memory_space<hbm>>
      %dma_wait3A_220 = arith.constant 0 : i32
      %dma_wait3A_221 = tpu.memref_slice %arg2[%mul3A_6, %dma_wait3A_220] : memref<2048x100xi32, #tpu.memory_space<hbm>> -> memref<64x100xi32, #tpu.memory_space<hbm>>
      tpu.wait_dma2 semaphore(%run_scoped3A : memref<!tpu.dma_semaphore, #tpu.memory_space<semaphore_mem>>) src(%dma_wait3A_221 : memref<64x100xi32, #tpu.memory_space<hbm>>) dst(%arg6 : memref<64x100xi32, #tpu.memory_space<vmem>>)
      tpu.yield
    }) : () -> ()
    %dma_start3A = arith.constant 0 : i32
    %dma_start3A_7 = arith.constant 0 : i32
    %dma_start3A_8 = arith.constant 0 : i32
    %dma_start3A_9 = arith.constant 0 : i32
    %dma_start3A_10 = tpu.memref_slice %arg8[%dma_start3A, %dma_start3A_8, %dma_start3A_9] : memref<4x200x128xf32, #tpu.memory_space<vmem>> -> memref<1x200x128xf32, #tpu.memory_space<vmem>>
    %dma_start3A_11 = tpu.memref_squeeze %dma_start3A_10 : memref<1x200x128xf32, #tpu.memory_space<vmem>> -> memref<200x128xf32, #tpu.memory_space<vmem>>
    %dma_start3A_12 = tpu.memref_slice %arg11[%dma_start3A_7] : memref<4x!tpu.dma_semaphore, #tpu.memory_space<semaphore_mem>> -> memref<1x!tpu.dma_semaphore, #tpu.memory_space<semaphore_mem>>
    %dma_start3A_13 = tpu.memref_squeeze %dma_start3A_12 : memref<1x!tpu.dma_semaphore, #tpu.memory_space<semaphore_mem>> -> memref<!tpu.dma_semaphore, #tpu.memory_space<semaphore_mem>>
    %dma_start3A_14 = arith.constant 0 : i32
    %dma_start3A_15 = arith.constant 0 : i32
    %dma_start3A_16 = tpu.memref_slice %arg8[%dma_start3A, %dma_start3A_14, %dma_start3A_15] : memref<4x200x128xf32, #tpu.memory_space<vmem>> -> memref<1x200x128xf32, #tpu.memory_space<vmem>>
    %dma_start3A_17 = tpu.memref_squeeze %dma_start3A_16 : memref<1x200x128xf32, #tpu.memory_space<vmem>> -> memref<200x128xf32, #tpu.memory_space<vmem>>
    tpu.enqueue_dma source(%arg7 : memref<200x128xf32, #tpu.memory_space<vmem_shared>>) target(%dma_start3A_17 : memref<200x128xf32, #tpu.memory_space<vmem>>) target_semaphore(%dma_start3A_13 : memref<!tpu.dma_semaphore, #tpu.memory_space<semaphore_mem>>)
    %dma_start3A_18 = arith.constant 1 : i32
    %dma_start3A_19 = arith.constant 1 : i32
    %dma_start3A_20 = arith.constant 0 : i32
    %dma_start3A_21 = arith.constant 0 : i32
    %dma_start3A_22 = tpu.memref_slice %arg8[%dma_start3A_18, %dma_start3A_20, %dma_start3A_21] : memref<4x200x128xf32, #tpu.memory_space<vmem>> -> memref<1x200x128xf32, #tpu.memory_space<vmem>>
    %dma_start3A_23 = tpu.memref_squeeze %dma_start3A_22 : memref<1x200x128xf32, #tpu.memory_space<vmem>> -> memref<200x128xf32, #tpu.memory_space<vmem>>
    %dma_start3A_24 = tpu.memref_slice %arg11[%dma_start3A_19] : memref<4x!tpu.dma_semaphore, #tpu.memory_space<semaphore_mem>> -> memref<1x!tpu.dma_semaphore, #tpu.memory_space<semaphore_mem>>
    %dma_start3A_25 = tpu.memref_squeeze %dma_start3A_24 : memref<1x!tpu.dma_semaphore, #tpu.memory_space<semaphore_mem>> -> memref<!tpu.dma_semaphore, #tpu.memory_space<semaphore_mem>>
    %dma_start3A_26 = arith.constant 0 : i32
    %dma_start3A_27 = arith.constant 0 : i32
    %dma_start3A_28 = tpu.memref_slice %arg8[%dma_start3A_18, %dma_start3A_26, %dma_start3A_27] : memref<4x200x128xf32, #tpu.memory_space<vmem>> -> memref<1x200x128xf32, #tpu.memory_space<vmem>>
    %dma_start3A_29 = tpu.memref_squeeze %dma_start3A_28 : memref<1x200x128xf32, #tpu.memory_space<vmem>> -> memref<200x128xf32, #tpu.memory_space<vmem>>
    tpu.enqueue_dma source(%arg7 : memref<200x128xf32, #tpu.memory_space<vmem_shared>>) target(%dma_start3A_29 : memref<200x128xf32, #tpu.memory_space<vmem>>) target_semaphore(%dma_start3A_25 : memref<!tpu.dma_semaphore, #tpu.memory_space<semaphore_mem>>)
    %dma_start3A_30 = arith.constant 2 : i32
    %dma_start3A_31 = arith.constant 2 : i32
    %dma_start3A_32 = arith.constant 0 : i32
    %dma_start3A_33 = arith.constant 0 : i32
    %dma_start3A_34 = tpu.memref_slice %arg8[%dma_start3A_30, %dma_start3A_32, %dma_start3A_33] : memref<4x200x128xf32, #tpu.memory_space<vmem>> -> memref<1x200x128xf32, #tpu.memory_space<vmem>>
    %dma_start3A_35 = tpu.memref_squeeze %dma_start3A_34 : memref<1x200x128xf32, #tpu.memory_space<vmem>> -> memref<200x128xf32, #tpu.memory_space<vmem>>
    %dma_start3A_36 = tpu.memref_slice %arg11[%dma_start3A_31] : memref<4x!tpu.dma_semaphore, #tpu.memory_space<semaphore_mem>> -> memref<1x!tpu.dma_semaphore, #tpu.memory_space<semaphore_mem>>
    %dma_start3A_37 = tpu.memref_squeeze %dma_start3A_36 : memref<1x!tpu.dma_semaphore, #tpu.memory_space<semaphore_mem>> -> memref<!tpu.dma_semaphore, #tpu.memory_space<semaphore_mem>>
    %dma_start3A_38 = arith.constant 0 : i32
    %dma_start3A_39 = arith.constant 0 : i32
    %dma_start3A_40 = tpu.memref_slice %arg8[%dma_start3A_30, %dma_start3A_38, %dma_start3A_39] : memref<4x200x128xf32, #tpu.memory_space<vmem>> -> memref<1x200x128xf32, #tpu.memory_space<vmem>>
    %dma_start3A_41 = tpu.memref_squeeze %dma_start3A_40 : memref<1x200x128xf32, #tpu.memory_space<vmem>> -> memref<200x128xf32, #tpu.memory_space<vmem>>
    tpu.enqueue_dma source(%arg7 : memref<200x128xf32, #tpu.memory_space<vmem_shared>>) target(%dma_start3A_41 : memref<200x128xf32, #tpu.memory_space<vmem>>) target_semaphore(%dma_start3A_37 : memref<!tpu.dma_semaphore, #tpu.memory_space<semaphore_mem>>)
    %dma_wait3A = arith.constant 0 : i32
    %dma_wait3A_42 = arith.constant 0 : i32
    %dma_wait3A_43 = arith.constant 0 : i32
    %dma_wait3A_44 = arith.constant 0 : i32
    %dma_wait3A_45 = tpu.memref_slice %arg8[%dma_wait3A, %dma_wait3A_43, %dma_wait3A_44] : memref<4x200x128xf32, #tpu.memory_space<vmem>> -> memref<1x200x128xf32, #tpu.memory_space<vmem>>
    %dma_wait3A_46 = tpu.memref_squeeze %dma_wait3A_45 : memref<1x200x128xf32, #tpu.memory_space<vmem>> -> memref<200x128xf32, #tpu.memory_space<vmem>>
    %dma_wait3A_47 = tpu.memref_slice %arg11[%dma_wait3A_42] : memref<4x!tpu.dma_semaphore, #tpu.memory_space<semaphore_mem>> -> memref<1x!tpu.dma_semaphore, #tpu.memory_space<semaphore_mem>>
    %dma_wait3A_48 = tpu.memref_squeeze %dma_wait3A_47 : memref<1x!tpu.dma_semaphore, #tpu.memory_space<semaphore_mem>> -> memref<!tpu.dma_semaphore, #tpu.memory_space<semaphore_mem>>
    %dma_wait3A_49 = arith.constant 0 : i32
    %dma_wait3A_50 = arith.constant 0 : i32
    %dma_wait3A_51 = tpu.memref_slice %arg8[%dma_wait3A, %dma_wait3A_49, %dma_wait3A_50] : memref<4x200x128xf32, #tpu.memory_space<vmem>> -> memref<1x200x128xf32, #tpu.memory_space<vmem>>
    %dma_wait3A_52 = tpu.memref_squeeze %dma_wait3A_51 : memref<1x200x128xf32, #tpu.memory_space<vmem>> -> memref<200x128xf32, #tpu.memory_space<vmem>>
    tpu.wait_dma2 semaphore(%dma_wait3A_48 : memref<!tpu.dma_semaphore, #tpu.memory_space<semaphore_mem>>) src(%arg7 : memref<200x128xf32, #tpu.memory_space<vmem_shared>>) dst(%dma_wait3A_52 : memref<200x128xf32, #tpu.memory_space<vmem>>)
    %dma_start3A_53 = arith.constant 0 : i32
    %dma_start3A_54 = arith.constant 0 : i32
    %dma_start3A_55 = arith.constant 0 : i32
    %dma_start3A_56 = arith.constant 0 : i32
    %dma_start3A_57 = arith.constant 0 : i32
    %dma_start3A_58 = tpu.memref_slice %arg8[%dma_start3A_54, %dma_start3A_56, %dma_start3A_57] : memref<4x200x128xf32, #tpu.memory_space<vmem>> -> memref<1x100x128xf32, #tpu.memory_space<vmem>>
    %dma_start3A_59 = tpu.memref_squeeze %dma_start3A_58 : memref<1x100x128xf32, #tpu.memory_space<vmem>> -> memref<100x128xf32, #tpu.memory_space<vmem>>
    %dma_start3A_60 = arith.constant 0 : i32
    %dma_start3A_61 = tpu.memref_slice %arg6[%dma_start3A_53, %dma_start3A_60] : memref<64x100xi32, #tpu.memory_space<vmem>> -> memref<1x100xi32, #tpu.memory_space<vmem>>
    %dma_start3A_62 = tpu.memref_squeeze %dma_start3A_61 : memref<1x100xi32, #tpu.memory_space<vmem>> -> memref<100xi32, #tpu.memory_space<vmem>>
    %dma_start3A_63 = arith.constant 0 : i32
    %dma_start3A_64 = arith.constant 0 : i32
    %dma_start3A_65 = tpu.memref_slice %arg3[%dma_start3A_63, %dma_start3A_64] : memref<100000x128xf32, #tpu.memory_space<hbm>> -> memref<100000x128xf32, #tpu.memory_space<hbm>>
    %dma_start3A_66 = tpu.memref_slice %arg9[%dma_start3A_55] : memref<4x!tpu.dma_semaphore, #tpu.memory_space<semaphore_mem>> -> memref<1x!tpu.dma_semaphore, #tpu.memory_space<semaphore_mem>>
    %dma_start3A_67 = tpu.memref_squeeze %dma_start3A_66 : memref<1x!tpu.dma_semaphore, #tpu.memory_space<semaphore_mem>> -> memref<!tpu.dma_semaphore, #tpu.memory_space<semaphore_mem>>
    tpu.enqueue_indirect_dma source(%dma_start3A_65 : memref<100000x128xf32, #tpu.memory_space<hbm>>) target(%dma_start3A_59 : memref<100x128xf32, #tpu.memory_space<vmem>>) offsets(%dma_start3A_62 : memref<100xi32, #tpu.memory_space<vmem>>) semaphore(%dma_start3A_67 : memref<!tpu.dma_semaphore, #tpu.memory_space<semaphore_mem>>) {add = true}
    %dma_start3A_68 = arith.constant 1 : i32
    %dma_start3A_69 = arith.constant 0 : i32
    %dma_start3A_70 = arith.constant 0 : i32
    %dma_start3A_71 = arith.constant 100 : i32
    %dma_start3A_72 = arith.constant 0 : i32
    %dma_start3A_73 = tpu.memref_slice %arg8[%dma_start3A_69, %dma_start3A_71, %dma_start3A_72] : memref<4x200x128xf32, #tpu.memory_space<vmem>> -> memref<1x100x128xf32, #tpu.memory_space<vmem>>
    %dma_start3A_74 = tpu.memref_squeeze %dma_start3A_73 : memref<1x100x128xf32, #tpu.memory_space<vmem>> -> memref<100x128xf32, #tpu.memory_space<vmem>>
    %dma_start3A_75 = arith.constant 0 : i32
    %dma_start3A_76 = tpu.memref_slice %arg6[%dma_start3A_68, %dma_start3A_75] : memref<64x100xi32, #tpu.memory_space<vmem>> -> memref<1x100xi32, #tpu.memory_space<vmem>>
    %dma_start3A_77 = tpu.memref_squeeze %dma_start3A_76 : memref<1x100xi32, #tpu.memory_space<vmem>> -> memref<100xi32, #tpu.memory_space<vmem>>
    %dma_start3A_78 = arith.constant 0 : i32
    %dma_start3A_79 = arith.constant 0 : i32
    %dma_start3A_80 = tpu.memref_slice %arg3[%dma_start3A_78, %dma_start3A_79] : memref<100000x128xf32, #tpu.memory_space<hbm>> -> memref<100000x128xf32, #tpu.memory_space<hbm>>
    %dma_start3A_81 = tpu.memref_slice %arg9[%dma_start3A_70] : memref<4x!tpu.dma_semaphore, #tpu.memory_space<semaphore_mem>> -> memref<1x!tpu.dma_semaphore, #tpu.memory_space<semaphore_mem>>
    %dma_start3A_82 = tpu.memref_squeeze %dma_start3A_81 : memref<1x!tpu.dma_semaphore, #tpu.memory_space<semaphore_mem>> -> memref<!tpu.dma_semaphore, #tpu.memory_space<semaphore_mem>>
    tpu.enqueue_indirect_dma source(%dma_start3A_80 : memref<100000x128xf32, #tpu.memory_space<hbm>>) target(%dma_start3A_74 : memref<100x128xf32, #tpu.memory_space<vmem>>) offsets(%dma_start3A_77 : memref<100xi32, #tpu.memory_space<vmem>>) semaphore(%dma_start3A_82 : memref<!tpu.dma_semaphore, #tpu.memory_space<semaphore_mem>>) {add = true}
    %dma_wait3A_83 = arith.constant 1 : i32
    %dma_wait3A_84 = arith.constant 1 : i32
    %dma_wait3A_85 = arith.constant 0 : i32
    %dma_wait3A_86 = arith.constant 0 : i32
    %dma_wait3A_87 = tpu.memref_slice %arg8[%dma_wait3A_83, %dma_wait3A_85, %dma_wait3A_86] : memref<4x200x128xf32, #tpu.memory_space<vmem>> -> memref<1x200x128xf32, #tpu.memory_space<vmem>>
    %dma_wait3A_88 = tpu.memref_squeeze %dma_wait3A_87 : memref<1x200x128xf32, #tpu.memory_space<vmem>> -> memref<200x128xf32, #tpu.memory_space<vmem>>
    %dma_wait3A_89 = tpu.memref_slice %arg11[%dma_wait3A_84] : memref<4x!tpu.dma_semaphore, #tpu.memory_space<semaphore_mem>> -> memref<1x!tpu.dma_semaphore, #tpu.memory_space<semaphore_mem>>
    %dma_wait3A_90 = tpu.memref_squeeze %dma_wait3A_89 : memref<1x!tpu.dma_semaphore, #tpu.memory_space<semaphore_mem>> -> memref<!tpu.dma_semaphore, #tpu.memory_space<semaphore_mem>>
    %dma_wait3A_91 = arith.constant 0 : i32
    %dma_wait3A_92 = arith.constant 0 : i32
    %dma_wait3A_93 = tpu.memref_slice %arg8[%dma_wait3A_83, %dma_wait3A_91, %dma_wait3A_92] : memref<4x200x128xf32, #tpu.memory_space<vmem>> -> memref<1x200x128xf32, #tpu.memory_space<vmem>>
    %dma_wait3A_94 = tpu.memref_squeeze %dma_wait3A_93 : memref<1x200x128xf32, #tpu.memory_space<vmem>> -> memref<200x128xf32, #tpu.memory_space<vmem>>
    tpu.wait_dma2 semaphore(%dma_wait3A_90 : memref<!tpu.dma_semaphore, #tpu.memory_space<semaphore_mem>>) src(%arg7 : memref<200x128xf32, #tpu.memory_space<vmem_shared>>) dst(%dma_wait3A_94 : memref<200x128xf32, #tpu.memory_space<vmem>>)
    %dma_start3A_95 = arith.constant 2 : i32
    %dma_start3A_96 = arith.constant 1 : i32
    %dma_start3A_97 = arith.constant 1 : i32
    %dma_start3A_98 = arith.constant 0 : i32
    %dma_start3A_99 = arith.constant 0 : i32
    %dma_start3A_100 = tpu.memref_slice %arg8[%dma_start3A_96, %dma_start3A_98, %dma_start3A_99] : memref<4x200x128xf32, #tpu.memory_space<vmem>> -> memref<1x100x128xf32, #tpu.memory_space<vmem>>
    %dma_start3A_101 = tpu.memref_squeeze %dma_start3A_100 : memref<1x100x128xf32, #tpu.memory_space<vmem>> -> memref<100x128xf32, #tpu.memory_space<vmem>>
    %dma_start3A_102 = arith.constant 0 : i32
    %dma_start3A_103 = tpu.memref_slice %arg6[%dma_start3A_95, %dma_start3A_102] : memref<64x100xi32, #tpu.memory_space<vmem>> -> memref<1x100xi32, #tpu.memory_space<vmem>>
    %dma_start3A_104 = tpu.memref_squeeze %dma_start3A_103 : memref<1x100xi32, #tpu.memory_space<vmem>> -> memref<100xi32, #tpu.memory_space<vmem>>
    %dma_start3A_105 = arith.constant 0 : i32
    %dma_start3A_106 = arith.constant 0 : i32
    %dma_start3A_107 = tpu.memref_slice %arg3[%dma_start3A_105, %dma_start3A_106] : memref<100000x128xf32, #tpu.memory_space<hbm>> -> memref<100000x128xf32, #tpu.memory_space<hbm>>
    %dma_start3A_108 = tpu.memref_slice %arg9[%dma_start3A_97] : memref<4x!tpu.dma_semaphore, #tpu.memory_space<semaphore_mem>> -> memref<1x!tpu.dma_semaphore, #tpu.memory_space<semaphore_mem>>
    %dma_start3A_109 = tpu.memref_squeeze %dma_start3A_108 : memref<1x!tpu.dma_semaphore, #tpu.memory_space<semaphore_mem>> -> memref<!tpu.dma_semaphore, #tpu.memory_space<semaphore_mem>>
    tpu.enqueue_indirect_dma source(%dma_start3A_107 : memref<100000x128xf32, #tpu.memory_space<hbm>>) target(%dma_start3A_101 : memref<100x128xf32, #tpu.memory_space<vmem>>) offsets(%dma_start3A_104 : memref<100xi32, #tpu.memory_space<vmem>>) semaphore(%dma_start3A_109 : memref<!tpu.dma_semaphore, #tpu.memory_space<semaphore_mem>>) {add = true}
    %dma_start3A_110 = arith.constant 3 : i32
    %dma_start3A_111 = arith.constant 1 : i32
    %dma_start3A_112 = arith.constant 1 : i32
    %dma_start3A_113 = arith.constant 100 : i32
    %dma_start3A_114 = arith.constant 0 : i32
    %dma_start3A_115 = tpu.memref_slice %arg8[%dma_start3A_111, %dma_start3A_113, %dma_start3A_114] : memref<4x200x128xf32, #tpu.memory_space<vmem>> -> memref<1x100x128xf32, #tpu.memory_space<vmem>>
    %dma_start3A_116 = tpu.memref_squeeze %dma_start3A_115 : memref<1x100x128xf32, #tpu.memory_space<vmem>> -> memref<100x128xf32, #tpu.memory_space<vmem>>
    %dma_start3A_117 = arith.constant 0 : i32
    %dma_start3A_118 = tpu.memref_slice %arg6[%dma_start3A_110, %dma_start3A_117] : memref<64x100xi32, #tpu.memory_space<vmem>> -> memref<1x100xi32, #tpu.memory_space<vmem>>
    %dma_start3A_119 = tpu.memref_squeeze %dma_start3A_118 : memref<1x100xi32, #tpu.memory_space<vmem>> -> memref<100xi32, #tpu.memory_space<vmem>>
    %dma_start3A_120 = arith.constant 0 : i32
    %dma_start3A_121 = arith.constant 0 : i32
    %dma_start3A_122 = tpu.memref_slice %arg3[%dma_start3A_120, %dma_start3A_121] : memref<100000x128xf32, #tpu.memory_space<hbm>> -> memref<100000x128xf32, #tpu.memory_space<hbm>>
    %dma_start3A_123 = tpu.memref_slice %arg9[%dma_start3A_112] : memref<4x!tpu.dma_semaphore, #tpu.memory_space<semaphore_mem>> -> memref<1x!tpu.dma_semaphore, #tpu.memory_space<semaphore_mem>>
    %dma_start3A_124 = tpu.memref_squeeze %dma_start3A_123 : memref<1x!tpu.dma_semaphore, #tpu.memory_space<semaphore_mem>> -> memref<!tpu.dma_semaphore, #tpu.memory_space<semaphore_mem>>
    tpu.enqueue_indirect_dma source(%dma_start3A_122 : memref<100000x128xf32, #tpu.memory_space<hbm>>) target(%dma_start3A_116 : memref<100x128xf32, #tpu.memory_space<vmem>>) offsets(%dma_start3A_119 : memref<100xi32, #tpu.memory_space<vmem>>) semaphore(%dma_start3A_124 : memref<!tpu.dma_semaphore, #tpu.memory_space<semaphore_mem>>) {add = true}
    %scan3A = arith.constant 0 : i32
    %scan3A_125 = arith.constant 0 : i32
    %scan3A_126 = arith.constant 8 : i32
    %scan3A_127 = arith.addi %scan3A_125, %scan3A_126 : i32
    %scan3A_128 = arith.constant 1 : i32
    scf.for %scan3A_214 = %scan3A_125 to %scan3A_127 step %scan3A_128  : i32 {
      %mul3A_215 = arith.constant 4 : i32
      %mul3A_216 = arith.muli %mul3A_215, %scan3A_214 : i32
      %add3A_217 = arith.constant 0 : i32
      %add3A_218 = arith.addi %mul3A_216, %add3A_217 : i32
      %add3A_219 = arith.constant 3 : i32
      %add3A_220 = arith.addi %add3A_218, %add3A_219 : i32
      %lt3A = arith.constant 32 : i32
      %lt3A_221 = arith.cmpi slt, %add3A_220, %lt3A : i32
      %convert_element_type3A_222 = arith.extui %lt3A_221 : i1 to i32
      %cond3A_223 = arith.constant 0 : i32
      %cond3A_224 = arith.cmpi ne, %convert_element_type3A_222, %cond3A_223 : i32
      scf.if %cond3A_224 {
        %ge3A = arith.constant 4 : i32
        %ge3A_454 = arith.cmpi sge, %add3A_220, %ge3A : i32
        %convert_element_type3A_455 = arith.extui %ge3A_454 : i1 to i32
        %cond3A_456 = arith.constant 0 : i32
        %cond3A_457 = arith.cmpi ne, %convert_element_type3A_455, %cond3A_456 : i32
        scf.if %cond3A_457 {
          %dma_wait3A_470 = arith.constant 3 : i32
          %dma_wait3A_471 = arith.constant 0 : i32
          %dma_wait3A_472 = arith.constant 3 : i32
          %dma_wait3A_473 = arith.constant 0 : i32
          %dma_wait3A_474 = arith.constant 0 : i32
          %dma_wait3A_475 = tpu.memref_slice %arg8[%dma_wait3A_470, %dma_wait3A_473, %dma_wait3A_474] : memref<4x200x128xf32, #tpu.memory_space<vmem>> -> memref<1x200x128xf32, #tpu.memory_space<vmem>>
          %dma_wait3A_476 = tpu.memref_squeeze %dma_wait3A_475 : memref<1x200x128xf32, #tpu.memory_space<vmem>> -> memref<200x128xf32, #tpu.memory_space<vmem>>
          %dma_wait3A_477 = arith.constant 0 : i32
          %dma_wait3A_478 = arith.constant 0 : i32
          %dma_wait3A_479 = tpu.memref_slice %arg5[%dma_wait3A_471, %dma_wait3A_477, %dma_wait3A_478] : memref<1024x200x128xf32, #tpu.memory_space<hbm>> -> memref<1x200x128xf32, #tpu.memory_space<hbm>>
          %dma_wait3A_480 = tpu.memref_squeeze %dma_wait3A_479 : memref<1x200x128xf32, #tpu.memory_space<hbm>> -> memref<200x128xf32, #tpu.memory_space<hbm>>
          %dma_wait3A_481 = tpu.memref_slice %arg10[%dma_wait3A_472] : memref<4x!tpu.dma_semaphore, #tpu.memory_space<semaphore_mem>> -> memref<1x!tpu.dma_semaphore, #tpu.memory_space<semaphore_mem>>
          %dma_wait3A_482 = tpu.memref_squeeze %dma_wait3A_481 : memref<1x!tpu.dma_semaphore, #tpu.memory_space<semaphore_mem>> -> memref<!tpu.dma_semaphore, #tpu.memory_space<semaphore_mem>>
          %dma_wait3A_483 = arith.constant 0 : i32
          %dma_wait3A_484 = arith.constant 0 : i32
          %dma_wait3A_485 = tpu.memref_slice %arg5[%dma_wait3A_471, %dma_wait3A_483, %dma_wait3A_484] : memref<1024x200x128xf32, #tpu.memory_space<hbm>> -> memref<1x200x128xf32, #tpu.memory_space<hbm>>
          %dma_wait3A_486 = tpu.memref_squeeze %dma_wait3A_485 : memref<1x200x128xf32, #tpu.memory_space<hbm>> -> memref<200x128xf32, #tpu.memory_space<hbm>>
          %dma_wait3A_487 = arith.constant 0 : i32
          %dma_wait3A_488 = arith.constant 0 : i32
          %dma_wait3A_489 = tpu.memref_slice %arg8[%dma_wait3A_470, %dma_wait3A_487, %dma_wait3A_488] : memref<4x200x128xf32, #tpu.memory_space<vmem>> -> memref<1x200x128xf32, #tpu.memory_space<vmem>>
          %dma_wait3A_490 = tpu.memref_squeeze %dma_wait3A_489 : memref<1x200x128xf32, #tpu.memory_space<vmem>> -> memref<200x128xf32, #tpu.memory_space<vmem>>
          tpu.wait_dma2 semaphore(%dma_wait3A_482 : memref<!tpu.dma_semaphore, #tpu.memory_space<semaphore_mem>>) src(%dma_wait3A_490 : memref<200x128xf32, #tpu.memory_space<vmem>>) dst(%dma_wait3A_486 : memref<200x128xf32, #tpu.memory_space<hbm>>)
        } else {
        }
        %dma_start3A_458 = arith.constant 3 : i32
        %dma_start3A_459 = arith.constant 3 : i32
        %dma_start3A_460 = arith.constant 0 : i32
        %dma_start3A_461 = arith.constant 0 : i32
        %dma_start3A_462 = tpu.memref_slice %arg8[%dma_start3A_458, %dma_start3A_460, %dma_start3A_461] : memref<4x200x128xf32, #tpu.memory_space<vmem>> -> memref<1x200x128xf32, #tpu.memory_space<vmem>>
        %dma_start3A_463 = tpu.memref_squeeze %dma_start3A_462 : memref<1x200x128xf32, #tpu.memory_space<vmem>> -> memref<200x128xf32, #tpu.memory_space<vmem>>
        %dma_start3A_464 = tpu.memref_slice %arg11[%dma_start3A_459] : memref<4x!tpu.dma_semaphore, #tpu.memory_space<semaphore_mem>> -> memref<1x!tpu.dma_semaphore, #tpu.memory_space<semaphore_mem>>
        %dma_start3A_465 = tpu.memref_squeeze %dma_start3A_464 : memref<1x!tpu.dma_semaphore, #tpu.memory_space<semaphore_mem>> -> memref<!tpu.dma_semaphore, #tpu.memory_space<semaphore_mem>>
        %dma_start3A_466 = arith.constant 0 : i32
        %dma_start3A_467 = arith.constant 0 : i32
        %dma_start3A_468 = tpu.memref_slice %arg8[%dma_start3A_458, %dma_start3A_466, %dma_start3A_467] : memref<4x200x128xf32, #tpu.memory_space<vmem>> -> memref<1x200x128xf32, #tpu.memory_space<vmem>>
        %dma_start3A_469 = tpu.memref_squeeze %dma_start3A_468 : memref<1x200x128xf32, #tpu.memory_space<vmem>> -> memref<200x128xf32, #tpu.memory_space<vmem>>
        tpu.enqueue_dma source(%arg7 : memref<200x128xf32, #tpu.memory_space<vmem_shared>>) target(%dma_start3A_469 : memref<200x128xf32, #tpu.memory_space<vmem>>) target_semaphore(%dma_start3A_465 : memref<!tpu.dma_semaphore, #tpu.memory_space<semaphore_mem>>)
      } else {
      }
      %add3A_225 = arith.constant 2 : i32
      %add3A_226 = arith.addi %add3A_218, %add3A_225 : i32
      %lt3A_227 = arith.constant 32 : i32
      %lt3A_228 = arith.cmpi slt, %add3A_226, %lt3A_227 : i32
      %convert_element_type3A_229 = arith.extui %lt3A_228 : i1 to i32
      %cond3A_230 = arith.constant 0 : i32
      %cond3A_231 = arith.cmpi ne, %convert_element_type3A_229, %cond3A_230 : i32
      scf.if %cond3A_231 {
        %dma_wait3A_454 = arith.constant 2 : i32
        %dma_wait3A_455 = arith.constant 2 : i32
        %dma_wait3A_456 = arith.constant 0 : i32
        %dma_wait3A_457 = arith.constant 0 : i32
        %dma_wait3A_458 = tpu.memref_slice %arg8[%dma_wait3A_454, %dma_wait3A_456, %dma_wait3A_457] : memref<4x200x128xf32, #tpu.memory_space<vmem>> -> memref<1x200x128xf32, #tpu.memory_space<vmem>>
        %dma_wait3A_459 = tpu.memref_squeeze %dma_wait3A_458 : memref<1x200x128xf32, #tpu.memory_space<vmem>> -> memref<200x128xf32, #tpu.memory_space<vmem>>
        %dma_wait3A_460 = tpu.memref_slice %arg11[%dma_wait3A_455] : memref<4x!tpu.dma_semaphore, #tpu.memory_space<semaphore_mem>> -> memref<1x!tpu.dma_semaphore, #tpu.memory_space<semaphore_mem>>
        %dma_wait3A_461 = tpu.memref_squeeze %dma_wait3A_460 : memref<1x!tpu.dma_semaphore, #tpu.memory_space<semaphore_mem>> -> memref<!tpu.dma_semaphore, #tpu.memory_space<semaphore_mem>>
        %dma_wait3A_462 = arith.constant 0 : i32
        %dma_wait3A_463 = arith.constant 0 : i32
        %dma_wait3A_464 = tpu.memref_slice %arg8[%dma_wait3A_454, %dma_wait3A_462, %dma_wait3A_463] : memref<4x200x128xf32, #tpu.memory_space<vmem>> -> memref<1x200x128xf32, #tpu.memory_space<vmem>>
        %dma_wait3A_465 = tpu.memref_squeeze %dma_wait3A_464 : memref<1x200x128xf32, #tpu.memory_space<vmem>> -> memref<200x128xf32, #tpu.memory_space<vmem>>
        tpu.wait_dma2 semaphore(%dma_wait3A_461 : memref<!tpu.dma_semaphore, #tpu.memory_space<semaphore_mem>>) src(%arg7 : memref<200x128xf32, #tpu.memory_space<vmem_shared>>) dst(%dma_wait3A_465 : memref<200x128xf32, #tpu.memory_space<vmem>>)
        %mul3A_466 = arith.constant 2 : i32
        %mul3A_467 = arith.muli %mul3A_466, %add3A_226 : i32
        %add3A_468 = arith.constant 0 : i32
        %add3A_469 = arith.addi %mul3A_467, %add3A_468 : i32
        %dma_start3A_470 = arith.constant 2 : i32
        %dma_start3A_471 = arith.constant 2 : i32
        %dma_start3A_472 = arith.constant 0 : i32
        %dma_start3A_473 = arith.constant 0 : i32
        %dma_start3A_474 = tpu.memref_slice %arg8[%dma_start3A_470, %dma_start3A_472, %dma_start3A_473] : memref<4x200x128xf32, #tpu.memory_space<vmem>> -> memref<1x100x128xf32, #tpu.memory_space<vmem>>
        %dma_start3A_475 = tpu.memref_squeeze %dma_start3A_474 : memref<1x100x128xf32, #tpu.memory_space<vmem>> -> memref<100x128xf32, #tpu.memory_space<vmem>>
        %dma_start3A_476 = arith.constant 0 : i32
        %dma_start3A_477 = tpu.memref_slice %arg6[%add3A_469, %dma_start3A_476] : memref<64x100xi32, #tpu.memory_space<vmem>> -> memref<1x100xi32, #tpu.memory_space<vmem>>
        %dma_start3A_478 = tpu.memref_squeeze %dma_start3A_477 : memref<1x100xi32, #tpu.memory_space<vmem>> -> memref<100xi32, #tpu.memory_space<vmem>>
        %dma_start3A_479 = arith.constant 0 : i32
        %dma_start3A_480 = arith.constant 0 : i32
        %dma_start3A_481 = tpu.memref_slice %arg3[%dma_start3A_479, %dma_start3A_480] : memref<100000x128xf32, #tpu.memory_space<hbm>> -> memref<100000x128xf32, #tpu.memory_space<hbm>>
        %dma_start3A_482 = tpu.memref_slice %arg9[%dma_start3A_471] : memref<4x!tpu.dma_semaphore, #tpu.memory_space<semaphore_mem>> -> memref<1x!tpu.dma_semaphore, #tpu.memory_space<semaphore_mem>>
        %dma_start3A_483 = tpu.memref_squeeze %dma_start3A_482 : memref<1x!tpu.dma_semaphore, #tpu.memory_space<semaphore_mem>> -> memref<!tpu.dma_semaphore, #tpu.memory_space<semaphore_mem>>
        tpu.enqueue_indirect_dma source(%dma_start3A_481 : memref<100000x128xf32, #tpu.memory_space<hbm>>) target(%dma_start3A_475 : memref<100x128xf32, #tpu.memory_space<vmem>>) offsets(%dma_start3A_478 : memref<100xi32, #tpu.memory_space<vmem>>) semaphore(%dma_start3A_483 : memref<!tpu.dma_semaphore, #tpu.memory_space<semaphore_mem>>) {add = true}
        %mul3A_484 = arith.constant 2 : i32
        %mul3A_485 = arith.muli %mul3A_484, %add3A_226 : i32
        %add3A_486 = arith.constant 1 : i32
        %add3A_487 = arith.addi %mul3A_485, %add3A_486 : i32
        %dma_start3A_488 = arith.constant 2 : i32
        %dma_start3A_489 = arith.constant 2 : i32
        %dma_start3A_490 = arith.constant 100 : i32
        %dma_start3A_491 = arith.constant 0 : i32
        %dma_start3A_492 = tpu.memref_slice %arg8[%dma_start3A_488, %dma_start3A_490, %dma_start3A_491] : memref<4x200x128xf32, #tpu.memory_space<vmem>> -> memref<1x100x128xf32, #tpu.memory_space<vmem>>
        %dma_start3A_493 = tpu.memref_squeeze %dma_start3A_492 : memref<1x100x128xf32, #tpu.memory_space<vmem>> -> memref<100x128xf32, #tpu.memory_space<vmem>>
        %dma_start3A_494 = arith.constant 0 : i32
        %dma_start3A_495 = tpu.memref_slice %arg6[%add3A_487, %dma_start3A_494] : memref<64x100xi32, #tpu.memory_space<vmem>> -> memref<1x100xi32, #tpu.memory_space<vmem>>
        %dma_start3A_496 = tpu.memref_squeeze %dma_start3A_495 : memref<1x100xi32, #tpu.memory_space<vmem>> -> memref<100xi32, #tpu.memory_space<vmem>>
        %dma_start3A_497 = arith.constant 0 : i32
        %dma_start3A_498 = arith.constant 0 : i32
        %dma_start3A_499 = tpu.memref_slice %arg3[%dma_start3A_497, %dma_start3A_498] : memref<100000x128xf32, #tpu.memory_space<hbm>> -> memref<100000x128xf32, #tpu.memory_space<hbm>>
        %dma_start3A_500 = tpu.memref_slice %arg9[%dma_start3A_489] : memref<4x!tpu.dma_semaphore, #tpu.memory_space<semaphore_mem>> -> memref<1x!tpu.dma_semaphore, #tpu.memory_space<semaphore_mem>>
        %dma_start3A_501 = tpu.memref_squeeze %dma_start3A_500 : memref<1x!tpu.dma_semaphore, #tpu.memory_space<semaphore_mem>> -> memref<!tpu.dma_semaphore, #tpu.memory_space<semaphore_mem>>
        tpu.enqueue_indirect_dma source(%dma_start3A_499 : memref<100000x128xf32, #tpu.memory_space<hbm>>) target(%dma_start3A_493 : memref<100x128xf32, #tpu.memory_space<vmem>>) offsets(%dma_start3A_496 : memref<100xi32, #tpu.memory_space<vmem>>) semaphore(%dma_start3A_501 : memref<!tpu.dma_semaphore, #tpu.memory_space<semaphore_mem>>) {add = true}
      } else {
      }
      %dma_wait3A_232 = arith.constant 0 : i32
      %dma_wait3A_233 = arith.constant 0 : i32
      %dma_wait3A_234 = arith.constant 0 : i32
      %dma_wait3A_235 = arith.constant 0 : i32
      %dma_wait3A_236 = arith.constant 0 : i32
      %dma_wait3A_237 = tpu.memref_slice %arg8[%dma_wait3A_233, %dma_wait3A_235, %dma_wait3A_236] : memref<4x200x128xf32, #tpu.memory_space<vmem>> -> memref<1x200x128xf32, #tpu.memory_space<vmem>>
      %dma_wait3A_238 = tpu.memref_squeeze %dma_wait3A_237 : memref<1x200x128xf32, #tpu.memory_space<vmem>> -> memref<200x128xf32, #tpu.memory_space<vmem>>
      %dma_wait3A_239 = arith.constant 0 : i32
      %dma_wait3A_240 = arith.constant 0 : i32
      %dma_wait3A_241 = tpu.memref_slice %arg5[%dma_wait3A_232, %dma_wait3A_239, %dma_wait3A_240] : memref<1024x200x128xf32, #tpu.memory_space<hbm>> -> memref<1x200x128xf32, #tpu.memory_space<hbm>>
      %dma_wait3A_242 = tpu.memref_squeeze %dma_wait3A_241 : memref<1x200x128xf32, #tpu.memory_space<hbm>> -> memref<200x128xf32, #tpu.memory_space<hbm>>
      %dma_wait3A_243 = tpu.memref_slice %arg9[%dma_wait3A_234] : memref<4x!tpu.dma_semaphore, #tpu.memory_space<semaphore_mem>> -> memref<1x!tpu.dma_semaphore, #tpu.memory_space<semaphore_mem>>
      %dma_wait3A_244 = tpu.memref_squeeze %dma_wait3A_243 : memref<1x!tpu.dma_semaphore, #tpu.memory_space<semaphore_mem>> -> memref<!tpu.dma_semaphore, #tpu.memory_space<semaphore_mem>>
      %dma_wait3A_245 = arith.constant 0 : i32
      %dma_wait3A_246 = arith.constant 0 : i32
      %dma_wait3A_247 = tpu.memref_slice %arg8[%dma_wait3A_233, %dma_wait3A_245, %dma_wait3A_246] : memref<4x200x128xf32, #tpu.memory_space<vmem>> -> memref<1x200x128xf32, #tpu.memory_space<vmem>>
      %dma_wait3A_248 = tpu.memref_squeeze %dma_wait3A_247 : memref<1x200x128xf32, #tpu.memory_space<vmem>> -> memref<200x128xf32, #tpu.memory_space<vmem>>
      %dma_wait3A_249 = arith.constant 0 : i32
      %dma_wait3A_250 = arith.constant 0 : i32
      %dma_wait3A_251 = tpu.memref_slice %arg5[%dma_wait3A_232, %dma_wait3A_249, %dma_wait3A_250] : memref<1024x200x128xf32, #tpu.memory_space<hbm>> -> memref<1x200x128xf32, #tpu.memory_space<hbm>>
      %dma_wait3A_252 = tpu.memref_squeeze %dma_wait3A_251 : memref<1x200x128xf32, #tpu.memory_space<hbm>> -> memref<200x128xf32, #tpu.memory_space<hbm>>
      tpu.wait_dma2 semaphore(%dma_wait3A_244 : memref<!tpu.dma_semaphore, #tpu.memory_space<semaphore_mem>>) src(%dma_wait3A_252 : memref<200x128xf32, #tpu.memory_space<hbm>>) dst(%dma_wait3A_248 : memref<200x128xf32, #tpu.memory_space<vmem>>)
      %add3A_253 = arith.addi %mul3A_2, %add3A_218 : i32
      %dma_start3A_254 = arith.constant 0 : i32
      %dma_start3A_255 = arith.constant 0 : i32
      %dma_start3A_256 = arith.constant 0 : i32
      %dma_start3A_257 = arith.constant 0 : i32
      %dma_start3A_258 = tpu.memref_slice %arg8[%dma_start3A_254, %dma_start3A_256, %dma_start3A_257] : memref<4x200x128xf32, #tpu.memory_space<vmem>> -> memref<1x200x128xf32, #tpu.memory_space<vmem>>
      %dma_start3A_259 = tpu.memref_squeeze %dma_start3A_258 : memref<1x200x128xf32, #tpu.memory_space<vmem>> -> memref<200x128xf32, #tpu.memory_space<vmem>>
      %dma_start3A_260 = arith.constant 0 : i32
      %dma_start3A_261 = arith.constant 0 : i32
      %dma_start3A_262 = tpu.memref_slice %arg5[%add3A_253, %dma_start3A_260, %dma_start3A_261] : memref<1024x200x128xf32, #tpu.memory_space<hbm>> -> memref<1x200x128xf32, #tpu.memory_space<hbm>>
      %dma_start3A_263 = tpu.memref_squeeze %dma_start3A_262 : memref<1x200x128xf32, #tpu.memory_space<hbm>> -> memref<200x128xf32, #tpu.memory_space<hbm>>
      %dma_start3A_264 = tpu.memref_slice %arg10[%dma_start3A_255] : memref<4x!tpu.dma_semaphore, #tpu.memory_space<semaphore_mem>> -> memref<1x!tpu.dma_semaphore, #tpu.memory_space<semaphore_mem>>
      %dma_start3A_265 = tpu.memref_squeeze %dma_start3A_264 : memref<1x!tpu.dma_semaphore, #tpu.memory_space<semaphore_mem>> -> memref<!tpu.dma_semaphore, #tpu.memory_space<semaphore_mem>>
      %dma_start3A_266 = arith.constant 0 : i32
      %dma_start3A_267 = arith.constant 0 : i32
      %dma_start3A_268 = tpu.memref_slice %arg5[%add3A_253, %dma_start3A_266, %dma_start3A_267] : memref<1024x200x128xf32, #tpu.memory_space<hbm>> -> memref<1x200x128xf32, #tpu.memory_space<hbm>>
      %dma_start3A_269 = tpu.memref_squeeze %dma_start3A_268 : memref<1x200x128xf32, #tpu.memory_space<hbm>> -> memref<200x128xf32, #tpu.memory_space<hbm>>
      %dma_start3A_270 = arith.constant 0 : i32
      %dma_start3A_271 = arith.constant 0 : i32
      %dma_start3A_272 = tpu.memref_slice %arg8[%dma_start3A_254, %dma_start3A_270, %dma_start3A_271] : memref<4x200x128xf32, #tpu.memory_space<vmem>> -> memref<1x200x128xf32, #tpu.memory_space<vmem>>
      %dma_start3A_273 = tpu.memref_squeeze %dma_start3A_272 : memref<1x200x128xf32, #tpu.memory_space<vmem>> -> memref<200x128xf32, #tpu.memory_space<vmem>>
      tpu.enqueue_dma source(%dma_start3A_273 : memref<200x128xf32, #tpu.memory_space<vmem>>) target(%dma_start3A_269 : memref<200x128xf32, #tpu.memory_space<hbm>>) target_semaphore(%dma_start3A_265 : memref<!tpu.dma_semaphore, #tpu.memory_space<semaphore_mem>>)
      %mul3A_274 = arith.constant 4 : i32
      %mul3A_275 = arith.muli %mul3A_274, %scan3A_214 : i32
      %add3A_276 = arith.constant 1 : i32
      %add3A_277 = arith.addi %mul3A_275, %add3A_276 : i32
      %add3A_278 = arith.constant 3 : i32
      %add3A_279 = arith.addi %add3A_277, %add3A_278 : i32
      %lt3A_280 = arith.constant 32 : i32
      %lt3A_281 = arith.cmpi slt, %add3A_279, %lt3A_280 : i32
      %convert_element_type3A_282 = arith.extui %lt3A_281 : i1 to i32
      %cond3A_283 = arith.constant 0 : i32
      %cond3A_284 = arith.cmpi ne, %convert_element_type3A_282, %cond3A_283 : i32
      scf.if %cond3A_284 {
        %ge3A = arith.constant 4 : i32
        %ge3A_454 = arith.cmpi sge, %add3A_279, %ge3A : i32
        %convert_element_type3A_455 = arith.extui %ge3A_454 : i1 to i32
        %cond3A_456 = arith.constant 0 : i32
        %cond3A_457 = arith.cmpi ne, %convert_element_type3A_455, %cond3A_456 : i32
        scf.if %cond3A_457 {
          %dma_wait3A_470 = arith.constant 0 : i32
          %dma_wait3A_471 = arith.constant 0 : i32
          %dma_wait3A_472 = arith.constant 0 : i32
          %dma_wait3A_473 = arith.constant 0 : i32
          %dma_wait3A_474 = arith.constant 0 : i32
          %dma_wait3A_475 = tpu.memref_slice %arg8[%dma_wait3A_470, %dma_wait3A_473, %dma_wait3A_474] : memref<4x200x128xf32, #tpu.memory_space<vmem>> -> memref<1x200x128xf32, #tpu.memory_space<vmem>>
          %dma_wait3A_476 = tpu.memref_squeeze %dma_wait3A_475 : memref<1x200x128xf32, #tpu.memory_space<vmem>> -> memref<200x128xf32, #tpu.memory_space<vmem>>
          %dma_wait3A_477 = arith.constant 0 : i32
          %dma_wait3A_478 = arith.constant 0 : i32
          %dma_wait3A_479 = tpu.memref_slice %arg5[%dma_wait3A_471, %dma_wait3A_477, %dma_wait3A_478] : memref<1024x200x128xf32, #tpu.memory_space<hbm>> -> memref<1x200x128xf32, #tpu.memory_space<hbm>>
          %dma_wait3A_480 = tpu.memref_squeeze %dma_wait3A_479 : memref<1x200x128xf32, #tpu.memory_space<hbm>> -> memref<200x128xf32, #tpu.memory_space<hbm>>
          %dma_wait3A_481 = tpu.memref_slice %arg10[%dma_wait3A_472] : memref<4x!tpu.dma_semaphore, #tpu.memory_space<semaphore_mem>> -> memref<1x!tpu.dma_semaphore, #tpu.memory_space<semaphore_mem>>
          %dma_wait3A_482 = tpu.memref_squeeze %dma_wait3A_481 : memref<1x!tpu.dma_semaphore, #tpu.memory_space<semaphore_mem>> -> memref<!tpu.dma_semaphore, #tpu.memory_space<semaphore_mem>>
          %dma_wait3A_483 = arith.constant 0 : i32
          %dma_wait3A_484 = arith.constant 0 : i32
          %dma_wait3A_485 = tpu.memref_slice %arg5[%dma_wait3A_471, %dma_wait3A_483, %dma_wait3A_484] : memref<1024x200x128xf32, #tpu.memory_space<hbm>> -> memref<1x200x128xf32, #tpu.memory_space<hbm>>
          %dma_wait3A_486 = tpu.memref_squeeze %dma_wait3A_485 : memref<1x200x128xf32, #tpu.memory_space<hbm>> -> memref<200x128xf32, #tpu.memory_space<hbm>>
          %dma_wait3A_487 = arith.constant 0 : i32
          %dma_wait3A_488 = arith.constant 0 : i32
          %dma_wait3A_489 = tpu.memref_slice %arg8[%dma_wait3A_470, %dma_wait3A_487, %dma_wait3A_488] : memref<4x200x128xf32, #tpu.memory_space<vmem>> -> memref<1x200x128xf32, #tpu.memory_space<vmem>>
          %dma_wait3A_490 = tpu.memref_squeeze %dma_wait3A_489 : memref<1x200x128xf32, #tpu.memory_space<vmem>> -> memref<200x128xf32, #tpu.memory_space<vmem>>
          tpu.wait_dma2 semaphore(%dma_wait3A_482 : memref<!tpu.dma_semaphore, #tpu.memory_space<semaphore_mem>>) src(%dma_wait3A_490 : memref<200x128xf32, #tpu.memory_space<vmem>>) dst(%dma_wait3A_486 : memref<200x128xf32, #tpu.memory_space<hbm>>)
        } else {
        }
        %dma_start3A_458 = arith.constant 0 : i32
        %dma_start3A_459 = arith.constant 0 : i32
        %dma_start3A_460 = arith.constant 0 : i32
        %dma_start3A_461 = arith.constant 0 : i32
        %dma_start3A_462 = tpu.memref_slice %arg8[%dma_start3A_458, %dma_start3A_460, %dma_start3A_461] : memref<4x200x128xf32, #tpu.memory_space<vmem>> -> memref<1x200x128xf32, #tpu.memory_space<vmem>>
        %dma_start3A_463 = tpu.memref_squeeze %dma_start3A_462 : memref<1x200x128xf32, #tpu.memory_space<vmem>> -> memref<200x128xf32, #tpu.memory_space<vmem>>
        %dma_start3A_464 = tpu.memref_slice %arg11[%dma_start3A_459] : memref<4x!tpu.dma_semaphore, #tpu.memory_space<semaphore_mem>> -> memref<1x!tpu.dma_semaphore, #tpu.memory_space<semaphore_mem>>
        %dma_start3A_465 = tpu.memref_squeeze %dma_start3A_464 : memref<1x!tpu.dma_semaphore, #tpu.memory_space<semaphore_mem>> -> memref<!tpu.dma_semaphore, #tpu.memory_space<semaphore_mem>>
        %dma_start3A_466 = arith.constant 0 : i32
        %dma_start3A_467 = arith.constant 0 : i32
        %dma_start3A_468 = tpu.memref_slice %arg8[%dma_start3A_458, %dma_start3A_466, %dma_start3A_467] : memref<4x200x128xf32, #tpu.memory_space<vmem>> -> memref<1x200x128xf32, #tpu.memory_space<vmem>>
        %dma_start3A_469 = tpu.memref_squeeze %dma_start3A_468 : memref<1x200x128xf32, #tpu.memory_space<vmem>> -> memref<200x128xf32, #tpu.memory_space<vmem>>
        tpu.enqueue_dma source(%arg7 : memref<200x128xf32, #tpu.memory_space<vmem_shared>>) target(%dma_start3A_469 : memref<200x128xf32, #tpu.memory_space<vmem>>) target_semaphore(%dma_start3A_465 : memref<!tpu.dma_semaphore, #tpu.memory_space<semaphore_mem>>)
      } else {
      }
      %add3A_285 = arith.constant 2 : i32
      %add3A_286 = arith.addi %add3A_277, %add3A_285 : i32
      %lt3A_287 = arith.constant 32 : i32
      %lt3A_288 = arith.cmpi slt, %add3A_286, %lt3A_287 : i32
      %convert_element_type3A_289 = arith.extui %lt3A_288 : i1 to i32
      %cond3A_290 = arith.constant 0 : i32
      %cond3A_291 = arith.cmpi ne, %convert_element_type3A_289, %cond3A_290 : i32
      scf.if %cond3A_291 {
        %dma_wait3A_454 = arith.constant 3 : i32
        %dma_wait3A_455 = arith.constant 3 : i32
        %dma_wait3A_456 = arith.constant 0 : i32
        %dma_wait3A_457 = arith.constant 0 : i32
        %dma_wait3A_458 = tpu.memref_slice %arg8[%dma_wait3A_454, %dma_wait3A_456, %dma_wait3A_457] : memref<4x200x128xf32, #tpu.memory_space<vmem>> -> memref<1x200x128xf32, #tpu.memory_space<vmem>>
        %dma_wait3A_459 = tpu.memref_squeeze %dma_wait3A_458 : memref<1x200x128xf32, #tpu.memory_space<vmem>> -> memref<200x128xf32, #tpu.memory_space<vmem>>
        %dma_wait3A_460 = tpu.memref_slice %arg11[%dma_wait3A_455] : memref<4x!tpu.dma_semaphore, #tpu.memory_space<semaphore_mem>> -> memref<1x!tpu.dma_semaphore, #tpu.memory_space<semaphore_mem>>
        %dma_wait3A_461 = tpu.memref_squeeze %dma_wait3A_460 : memref<1x!tpu.dma_semaphore, #tpu.memory_space<semaphore_mem>> -> memref<!tpu.dma_semaphore, #tpu.memory_space<semaphore_mem>>
        %dma_wait3A_462 = arith.constant 0 : i32
        %dma_wait3A_463 = arith.constant 0 : i32
        %dma_wait3A_464 = tpu.memref_slice %arg8[%dma_wait3A_454, %dma_wait3A_462, %dma_wait3A_463] : memref<4x200x128xf32, #tpu.memory_space<vmem>> -> memref<1x200x128xf32, #tpu.memory_space<vmem>>
        %dma_wait3A_465 = tpu.memref_squeeze %dma_wait3A_464 : memref<1x200x128xf32, #tpu.memory_space<vmem>> -> memref<200x128xf32, #tpu.memory_space<vmem>>
        tpu.wait_dma2 semaphore(%dma_wait3A_461 : memref<!tpu.dma_semaphore, #tpu.memory_space<semaphore_mem>>) src(%arg7 : memref<200x128xf32, #tpu.memory_space<vmem_shared>>) dst(%dma_wait3A_465 : memref<200x128xf32, #tpu.memory_space<vmem>>)
        %mul3A_466 = arith.constant 2 : i32
        %mul3A_467 = arith.muli %mul3A_466, %add3A_286 : i32
        %add3A_468 = arith.constant 0 : i32
        %add3A_469 = arith.addi %mul3A_467, %add3A_468 : i32
        %dma_start3A_470 = arith.constant 3 : i32
        %dma_start3A_471 = arith.constant 3 : i32
        %dma_start3A_472 = arith.constant 0 : i32
        %dma_start3A_473 = arith.constant 0 : i32
        %dma_start3A_474 = tpu.memref_slice %arg8[%dma_start3A_470, %dma_start3A_472, %dma_start3A_473] : memref<4x200x128xf32, #tpu.memory_space<vmem>> -> memref<1x100x128xf32, #tpu.memory_space<vmem>>
        %dma_start3A_475 = tpu.memref_squeeze %dma_start3A_474 : memref<1x100x128xf32, #tpu.memory_space<vmem>> -> memref<100x128xf32, #tpu.memory_space<vmem>>
        %dma_start3A_476 = arith.constant 0 : i32
        %dma_start3A_477 = tpu.memref_slice %arg6[%add3A_469, %dma_start3A_476] : memref<64x100xi32, #tpu.memory_space<vmem>> -> memref<1x100xi32, #tpu.memory_space<vmem>>
        %dma_start3A_478 = tpu.memref_squeeze %dma_start3A_477 : memref<1x100xi32, #tpu.memory_space<vmem>> -> memref<100xi32, #tpu.memory_space<vmem>>
        %dma_start3A_479 = arith.constant 0 : i32
        %dma_start3A_480 = arith.constant 0 : i32
        %dma_start3A_481 = tpu.memref_slice %arg3[%dma_start3A_479, %dma_start3A_480] : memref<100000x128xf32, #tpu.memory_space<hbm>> -> memref<100000x128xf32, #tpu.memory_space<hbm>>
        %dma_start3A_482 = tpu.memref_slice %arg9[%dma_start3A_471] : memref<4x!tpu.dma_semaphore, #tpu.memory_space<semaphore_mem>> -> memref<1x!tpu.dma_semaphore, #tpu.memory_space<semaphore_mem>>
        %dma_start3A_483 = tpu.memref_squeeze %dma_start3A_482 : memref<1x!tpu.dma_semaphore, #tpu.memory_space<semaphore_mem>> -> memref<!tpu.dma_semaphore, #tpu.memory_space<semaphore_mem>>
        tpu.enqueue_indirect_dma source(%dma_start3A_481 : memref<100000x128xf32, #tpu.memory_space<hbm>>) target(%dma_start3A_475 : memref<100x128xf32, #tpu.memory_space<vmem>>) offsets(%dma_start3A_478 : memref<100xi32, #tpu.memory_space<vmem>>) semaphore(%dma_start3A_483 : memref<!tpu.dma_semaphore, #tpu.memory_space<semaphore_mem>>) {add = true}
        %mul3A_484 = arith.constant 2 : i32
        %mul3A_485 = arith.muli %mul3A_484, %add3A_286 : i32
        %add3A_486 = arith.constant 1 : i32
        %add3A_487 = arith.addi %mul3A_485, %add3A_486 : i32
        %dma_start3A_488 = arith.constant 3 : i32
        %dma_start3A_489 = arith.constant 3 : i32
        %dma_start3A_490 = arith.constant 100 : i32
        %dma_start3A_491 = arith.constant 0 : i32
        %dma_start3A_492 = tpu.memref_slice %arg8[%dma_start3A_488, %dma_start3A_490, %dma_start3A_491] : memref<4x200x128xf32, #tpu.memory_space<vmem>> -> memref<1x100x128xf32, #tpu.memory_space<vmem>>
        %dma_start3A_493 = tpu.memref_squeeze %dma_start3A_492 : memref<1x100x128xf32, #tpu.memory_space<vmem>> -> memref<100x128xf32, #tpu.memory_space<vmem>>
        %dma_start3A_494 = arith.constant 0 : i32
        %dma_start3A_495 = tpu.memref_slice %arg6[%add3A_487, %dma_start3A_494] : memref<64x100xi32, #tpu.memory_space<vmem>> -> memref<1x100xi32, #tpu.memory_space<vmem>>
        %dma_start3A_496 = tpu.memref_squeeze %dma_start3A_495 : memref<1x100xi32, #tpu.memory_space<vmem>> -> memref<100xi32, #tpu.memory_space<vmem>>
        %dma_start3A_497 = arith.constant 0 : i32
        %dma_start3A_498 = arith.constant 0 : i32
        %dma_start3A_499 = tpu.memref_slice %arg3[%dma_start3A_497, %dma_start3A_498] : memref<100000x128xf32, #tpu.memory_space<hbm>> -> memref<100000x128xf32, #tpu.memory_space<hbm>>
        %dma_start3A_500 = tpu.memref_slice %arg9[%dma_start3A_489] : memref<4x!tpu.dma_semaphore, #tpu.memory_space<semaphore_mem>> -> memref<1x!tpu.dma_semaphore, #tpu.memory_space<semaphore_mem>>
        %dma_start3A_501 = tpu.memref_squeeze %dma_start3A_500 : memref<1x!tpu.dma_semaphore, #tpu.memory_space<semaphore_mem>> -> memref<!tpu.dma_semaphore, #tpu.memory_space<semaphore_mem>>
        tpu.enqueue_indirect_dma source(%dma_start3A_499 : memref<100000x128xf32, #tpu.memory_space<hbm>>) target(%dma_start3A_493 : memref<100x128xf32, #tpu.memory_space<vmem>>) offsets(%dma_start3A_496 : memref<100xi32, #tpu.memory_space<vmem>>) semaphore(%dma_start3A_501 : memref<!tpu.dma_semaphore, #tpu.memory_space<semaphore_mem>>) {add = true}
      } else {
      }
      %dma_wait3A_292 = arith.constant 0 : i32
      %dma_wait3A_293 = arith.constant 1 : i32
      %dma_wait3A_294 = arith.constant 1 : i32
      %dma_wait3A_295 = arith.constant 0 : i32
      %dma_wait3A_296 = arith.constant 0 : i32
      %dma_wait3A_297 = tpu.memref_slice %arg8[%dma_wait3A_293, %dma_wait3A_295, %dma_wait3A_296] : memref<4x200x128xf32, #tpu.memory_space<vmem>> -> memref<1x200x128xf32, #tpu.memory_space<vmem>>
      %dma_wait3A_298 = tpu.memref_squeeze %dma_wait3A_297 : memref<1x200x128xf32, #tpu.memory_space<vmem>> -> memref<200x128xf32, #tpu.memory_space<vmem>>
      %dma_wait3A_299 = arith.constant 0 : i32
      %dma_wait3A_300 = arith.constant 0 : i32
      %dma_wait3A_301 = tpu.memref_slice %arg5[%dma_wait3A_292, %dma_wait3A_299, %dma_wait3A_300] : memref<1024x200x128xf32, #tpu.memory_space<hbm>> -> memref<1x200x128xf32, #tpu.memory_space<hbm>>
      %dma_wait3A_302 = tpu.memref_squeeze %dma_wait3A_301 : memref<1x200x128xf32, #tpu.memory_space<hbm>> -> memref<200x128xf32, #tpu.memory_space<hbm>>
      %dma_wait3A_303 = tpu.memref_slice %arg9[%dma_wait3A_294] : memref<4x!tpu.dma_semaphore, #tpu.memory_space<semaphore_mem>> -> memref<1x!tpu.dma_semaphore, #tpu.memory_space<semaphore_mem>>
      %dma_wait3A_304 = tpu.memref_squeeze %dma_wait3A_303 : memref<1x!tpu.dma_semaphore, #tpu.memory_space<semaphore_mem>> -> memref<!tpu.dma_semaphore, #tpu.memory_space<semaphore_mem>>
      %dma_wait3A_305 = arith.constant 0 : i32
      %dma_wait3A_306 = arith.constant 0 : i32
      %dma_wait3A_307 = tpu.memref_slice %arg8[%dma_wait3A_293, %dma_wait3A_305, %dma_wait3A_306] : memref<4x200x128xf32, #tpu.memory_space<vmem>> -> memref<1x200x128xf32, #tpu.memory_space<vmem>>
      %dma_wait3A_308 = tpu.memref_squeeze %dma_wait3A_307 : memref<1x200x128xf32, #tpu.memory_space<vmem>> -> memref<200x128xf32, #tpu.memory_space<vmem>>
      %dma_wait3A_309 = arith.constant 0 : i32
      %dma_wait3A_310 = arith.constant 0 : i32
      %dma_wait3A_311 = tpu.memref_slice %arg5[%dma_wait3A_292, %dma_wait3A_309, %dma_wait3A_310] : memref<1024x200x128xf32, #tpu.memory_space<hbm>> -> memref<1x200x128xf32, #tpu.memory_space<hbm>>
      %dma_wait3A_312 = tpu.memref_squeeze %dma_wait3A_311 : memref<1x200x128xf32, #tpu.memory_space<hbm>> -> memref<200x128xf32, #tpu.memory_space<hbm>>
      tpu.wait_dma2 semaphore(%dma_wait3A_304 : memref<!tpu.dma_semaphore, #tpu.memory_space<semaphore_mem>>) src(%dma_wait3A_312 : memref<200x128xf32, #tpu.memory_space<hbm>>) dst(%dma_wait3A_308 : memref<200x128xf32, #tpu.memory_space<vmem>>)
      %add3A_313 = arith.addi %mul3A_2, %add3A_277 : i32
      %dma_start3A_314 = arith.constant 1 : i32
      %dma_start3A_315 = arith.constant 1 : i32
      %dma_start3A_316 = arith.constant 0 : i32
      %dma_start3A_317 = arith.constant 0 : i32
      %dma_start3A_318 = tpu.memref_slice %arg8[%dma_start3A_314, %dma_start3A_316, %dma_start3A_317] : memref<4x200x128xf32, #tpu.memory_space<vmem>> -> memref<1x200x128xf32, #tpu.memory_space<vmem>>
      %dma_start3A_319 = tpu.memref_squeeze %dma_start3A_318 : memref<1x200x128xf32, #tpu.memory_space<vmem>> -> memref<200x128xf32, #tpu.memory_space<vmem>>
      %dma_start3A_320 = arith.constant 0 : i32
      %dma_start3A_321 = arith.constant 0 : i32
      %dma_start3A_322 = tpu.memref_slice %arg5[%add3A_313, %dma_start3A_320, %dma_start3A_321] : memref<1024x200x128xf32, #tpu.memory_space<hbm>> -> memref<1x200x128xf32, #tpu.memory_space<hbm>>
      %dma_start3A_323 = tpu.memref_squeeze %dma_start3A_322 : memref<1x200x128xf32, #tpu.memory_space<hbm>> -> memref<200x128xf32, #tpu.memory_space<hbm>>
      %dma_start3A_324 = tpu.memref_slice %arg10[%dma_start3A_315] : memref<4x!tpu.dma_semaphore, #tpu.memory_space<semaphore_mem>> -> memref<1x!tpu.dma_semaphore, #tpu.memory_space<semaphore_mem>>
      %dma_start3A_325 = tpu.memref_squeeze %dma_start3A_324 : memref<1x!tpu.dma_semaphore, #tpu.memory_space<semaphore_mem>> -> memref<!tpu.dma_semaphore, #tpu.memory_space<semaphore_mem>>
      %dma_start3A_326 = arith.constant 0 : i32
      %dma_start3A_327 = arith.constant 0 : i32
      %dma_start3A_328 = tpu.memref_slice %arg5[%add3A_313, %dma_start3A_326, %dma_start3A_327] : memref<1024x200x128xf32, #tpu.memory_space<hbm>> -> memref<1x200x128xf32, #tpu.memory_space<hbm>>
      %dma_start3A_329 = tpu.memref_squeeze %dma_start3A_328 : memref<1x200x128xf32, #tpu.memory_space<hbm>> -> memref<200x128xf32, #tpu.memory_space<hbm>>
      %dma_start3A_330 = arith.constant 0 : i32
      %dma_start3A_331 = arith.constant 0 : i32
      %dma_start3A_332 = tpu.memref_slice %arg8[%dma_start3A_314, %dma_start3A_330, %dma_start3A_331] : memref<4x200x128xf32, #tpu.memory_space<vmem>> -> memref<1x200x128xf32, #tpu.memory_space<vmem>>
      %dma_start3A_333 = tpu.memref_squeeze %dma_start3A_332 : memref<1x200x128xf32, #tpu.memory_space<vmem>> -> memref<200x128xf32, #tpu.memory_space<vmem>>
      tpu.enqueue_dma source(%dma_start3A_333 : memref<200x128xf32, #tpu.memory_space<vmem>>) target(%dma_start3A_329 : memref<200x128xf32, #tpu.memory_space<hbm>>) target_semaphore(%dma_start3A_325 : memref<!tpu.dma_semaphore, #tpu.memory_space<semaphore_mem>>)
      %mul3A_334 = arith.constant 4 : i32
      %mul3A_335 = arith.muli %mul3A_334, %scan3A_214 : i32
      %add3A_336 = arith.constant 2 : i32
      %add3A_337 = arith.addi %mul3A_335, %add3A_336 : i32
      %add3A_338 = arith.constant 3 : i32
      %add3A_339 = arith.addi %add3A_337, %add3A_338 : i32
      %lt3A_340 = arith.constant 32 : i32
      %lt3A_341 = arith.cmpi slt, %add3A_339, %lt3A_340 : i32
      %convert_element_type3A_342 = arith.extui %lt3A_341 : i1 to i32
      %cond3A_343 = arith.constant 0 : i32
      %cond3A_344 = arith.cmpi ne, %convert_element_type3A_342, %cond3A_343 : i32
      scf.if %cond3A_344 {
        %ge3A = arith.constant 4 : i32
        %ge3A_454 = arith.cmpi sge, %add3A_339, %ge3A : i32
        %convert_element_type3A_455 = arith.extui %ge3A_454 : i1 to i32
        %cond3A_456 = arith.constant 0 : i32
        %cond3A_457 = arith.cmpi ne, %convert_element_type3A_455, %cond3A_456 : i32
        scf.if %cond3A_457 {
          %dma_wait3A_470 = arith.constant 1 : i32
          %dma_wait3A_471 = arith.constant 0 : i32
          %dma_wait3A_472 = arith.constant 1 : i32
          %dma_wait3A_473 = arith.constant 0 : i32
          %dma_wait3A_474 = arith.constant 0 : i32
          %dma_wait3A_475 = tpu.memref_slice %arg8[%dma_wait3A_470, %dma_wait3A_473, %dma_wait3A_474] : memref<4x200x128xf32, #tpu.memory_space<vmem>> -> memref<1x200x128xf32, #tpu.memory_space<vmem>>
          %dma_wait3A_476 = tpu.memref_squeeze %dma_wait3A_475 : memref<1x200x128xf32, #tpu.memory_space<vmem>> -> memref<200x128xf32, #tpu.memory_space<vmem>>
          %dma_wait3A_477 = arith.constant 0 : i32
          %dma_wait3A_478 = arith.constant 0 : i32
          %dma_wait3A_479 = tpu.memref_slice %arg5[%dma_wait3A_471, %dma_wait3A_477, %dma_wait3A_478] : memref<1024x200x128xf32, #tpu.memory_space<hbm>> -> memref<1x200x128xf32, #tpu.memory_space<hbm>>
          %dma_wait3A_480 = tpu.memref_squeeze %dma_wait3A_479 : memref<1x200x128xf32, #tpu.memory_space<hbm>> -> memref<200x128xf32, #tpu.memory_space<hbm>>
          %dma_wait3A_481 = tpu.memref_slice %arg10[%dma_wait3A_472] : memref<4x!tpu.dma_semaphore, #tpu.memory_space<semaphore_mem>> -> memref<1x!tpu.dma_semaphore, #tpu.memory_space<semaphore_mem>>
          %dma_wait3A_482 = tpu.memref_squeeze %dma_wait3A_481 : memref<1x!tpu.dma_semaphore, #tpu.memory_space<semaphore_mem>> -> memref<!tpu.dma_semaphore, #tpu.memory_space<semaphore_mem>>
          %dma_wait3A_483 = arith.constant 0 : i32
          %dma_wait3A_484 = arith.constant 0 : i32
          %dma_wait3A_485 = tpu.memref_slice %arg5[%dma_wait3A_471, %dma_wait3A_483, %dma_wait3A_484] : memref<1024x200x128xf32, #tpu.memory_space<hbm>> -> memref<1x200x128xf32, #tpu.memory_space<hbm>>
          %dma_wait3A_486 = tpu.memref_squeeze %dma_wait3A_485 : memref<1x200x128xf32, #tpu.memory_space<hbm>> -> memref<200x128xf32, #tpu.memory_space<hbm>>
          %dma_wait3A_487 = arith.constant 0 : i32
          %dma_wait3A_488 = arith.constant 0 : i32
          %dma_wait3A_489 = tpu.memref_slice %arg8[%dma_wait3A_470, %dma_wait3A_487, %dma_wait3A_488] : memref<4x200x128xf32, #tpu.memory_space<vmem>> -> memref<1x200x128xf32, #tpu.memory_space<vmem>>
          %dma_wait3A_490 = tpu.memref_squeeze %dma_wait3A_489 : memref<1x200x128xf32, #tpu.memory_space<vmem>> -> memref<200x128xf32, #tpu.memory_space<vmem>>
          tpu.wait_dma2 semaphore(%dma_wait3A_482 : memref<!tpu.dma_semaphore, #tpu.memory_space<semaphore_mem>>) src(%dma_wait3A_490 : memref<200x128xf32, #tpu.memory_space<vmem>>) dst(%dma_wait3A_486 : memref<200x128xf32, #tpu.memory_space<hbm>>)
        } else {
        }
        %dma_start3A_458 = arith.constant 1 : i32
        %dma_start3A_459 = arith.constant 1 : i32
        %dma_start3A_460 = arith.constant 0 : i32
        %dma_start3A_461 = arith.constant 0 : i32
        %dma_start3A_462 = tpu.memref_slice %arg8[%dma_start3A_458, %dma_start3A_460, %dma_start3A_461] : memref<4x200x128xf32, #tpu.memory_space<vmem>> -> memref<1x200x128xf32, #tpu.memory_space<vmem>>
        %dma_start3A_463 = tpu.memref_squeeze %dma_start3A_462 : memref<1x200x128xf32, #tpu.memory_space<vmem>> -> memref<200x128xf32, #tpu.memory_space<vmem>>
        %dma_start3A_464 = tpu.memref_slice %arg11[%dma_start3A_459] : memref<4x!tpu.dma_semaphore, #tpu.memory_space<semaphore_mem>> -> memref<1x!tpu.dma_semaphore, #tpu.memory_space<semaphore_mem>>
        %dma_start3A_465 = tpu.memref_squeeze %dma_start3A_464 : memref<1x!tpu.dma_semaphore, #tpu.memory_space<semaphore_mem>> -> memref<!tpu.dma_semaphore, #tpu.memory_space<semaphore_mem>>
        %dma_start3A_466 = arith.constant 0 : i32
        %dma_start3A_467 = arith.constant 0 : i32
        %dma_start3A_468 = tpu.memref_slice %arg8[%dma_start3A_458, %dma_start3A_466, %dma_start3A_467] : memref<4x200x128xf32, #tpu.memory_space<vmem>> -> memref<1x200x128xf32, #tpu.memory_space<vmem>>
        %dma_start3A_469 = tpu.memref_squeeze %dma_start3A_468 : memref<1x200x128xf32, #tpu.memory_space<vmem>> -> memref<200x128xf32, #tpu.memory_space<vmem>>
        tpu.enqueue_dma source(%arg7 : memref<200x128xf32, #tpu.memory_space<vmem_shared>>) target(%dma_start3A_469 : memref<200x128xf32, #tpu.memory_space<vmem>>) target_semaphore(%dma_start3A_465 : memref<!tpu.dma_semaphore, #tpu.memory_space<semaphore_mem>>)
      } else {
      }
      %add3A_345 = arith.constant 2 : i32
      %add3A_346 = arith.addi %add3A_337, %add3A_345 : i32
      %lt3A_347 = arith.constant 32 : i32
      %lt3A_348 = arith.cmpi slt, %add3A_346, %lt3A_347 : i32
      %convert_element_type3A_349 = arith.extui %lt3A_348 : i1 to i32
      %cond3A_350 = arith.constant 0 : i32
      %cond3A_351 = arith.cmpi ne, %convert_element_type3A_349, %cond3A_350 : i32
      scf.if %cond3A_351 {
        %dma_wait3A_454 = arith.constant 0 : i32
        %dma_wait3A_455 = arith.constant 0 : i32
        %dma_wait3A_456 = arith.constant 0 : i32
        %dma_wait3A_457 = arith.constant 0 : i32
        %dma_wait3A_458 = tpu.memref_slice %arg8[%dma_wait3A_454, %dma_wait3A_456, %dma_wait3A_457] : memref<4x200x128xf32, #tpu.memory_space<vmem>> -> memref<1x200x128xf32, #tpu.memory_space<vmem>>
        %dma_wait3A_459 = tpu.memref_squeeze %dma_wait3A_458 : memref<1x200x128xf32, #tpu.memory_space<vmem>> -> memref<200x128xf32, #tpu.memory_space<vmem>>
        %dma_wait3A_460 = tpu.memref_slice %arg11[%dma_wait3A_455] : memref<4x!tpu.dma_semaphore, #tpu.memory_space<semaphore_mem>> -> memref<1x!tpu.dma_semaphore, #tpu.memory_space<semaphore_mem>>
        %dma_wait3A_461 = tpu.memref_squeeze %dma_wait3A_460 : memref<1x!tpu.dma_semaphore, #tpu.memory_space<semaphore_mem>> -> memref<!tpu.dma_semaphore, #tpu.memory_space<semaphore_mem>>
        %dma_wait3A_462 = arith.constant 0 : i32
        %dma_wait3A_463 = arith.constant 0 : i32
        %dma_wait3A_464 = tpu.memref_slice %arg8[%dma_wait3A_454, %dma_wait3A_462, %dma_wait3A_463] : memref<4x200x128xf32, #tpu.memory_space<vmem>> -> memref<1x200x128xf32, #tpu.memory_space<vmem>>
        %dma_wait3A_465 = tpu.memref_squeeze %dma_wait3A_464 : memref<1x200x128xf32, #tpu.memory_space<vmem>> -> memref<200x128xf32, #tpu.memory_space<vmem>>
        tpu.wait_dma2 semaphore(%dma_wait3A_461 : memref<!tpu.dma_semaphore, #tpu.memory_space<semaphore_mem>>) src(%arg7 : memref<200x128xf32, #tpu.memory_space<vmem_shared>>) dst(%dma_wait3A_465 : memref<200x128xf32, #tpu.memory_space<vmem>>)
        %mul3A_466 = arith.constant 2 : i32
        %mul3A_467 = arith.muli %mul3A_466, %add3A_346 : i32
        %add3A_468 = arith.constant 0 : i32
        %add3A_469 = arith.addi %mul3A_467, %add3A_468 : i32
        %dma_start3A_470 = arith.constant 0 : i32
        %dma_start3A_471 = arith.constant 0 : i32
        %dma_start3A_472 = arith.constant 0 : i32
        %dma_start3A_473 = arith.constant 0 : i32
        %dma_start3A_474 = tpu.memref_slice %arg8[%dma_start3A_470, %dma_start3A_472, %dma_start3A_473] : memref<4x200x128xf32, #tpu.memory_space<vmem>> -> memref<1x100x128xf32, #tpu.memory_space<vmem>>
        %dma_start3A_475 = tpu.memref_squeeze %dma_start3A_474 : memref<1x100x128xf32, #tpu.memory_space<vmem>> -> memref<100x128xf32, #tpu.memory_space<vmem>>
        %dma_start3A_476 = arith.constant 0 : i32
        %dma_start3A_477 = tpu.memref_slice %arg6[%add3A_469, %dma_start3A_476] : memref<64x100xi32, #tpu.memory_space<vmem>> -> memref<1x100xi32, #tpu.memory_space<vmem>>
        %dma_start3A_478 = tpu.memref_squeeze %dma_start3A_477 : memref<1x100xi32, #tpu.memory_space<vmem>> -> memref<100xi32, #tpu.memory_space<vmem>>
        %dma_start3A_479 = arith.constant 0 : i32
        %dma_start3A_480 = arith.constant 0 : i32
        %dma_start3A_481 = tpu.memref_slice %arg3[%dma_start3A_479, %dma_start3A_480] : memref<100000x128xf32, #tpu.memory_space<hbm>> -> memref<100000x128xf32, #tpu.memory_space<hbm>>
        %dma_start3A_482 = tpu.memref_slice %arg9[%dma_start3A_471] : memref<4x!tpu.dma_semaphore, #tpu.memory_space<semaphore_mem>> -> memref<1x!tpu.dma_semaphore, #tpu.memory_space<semaphore_mem>>
        %dma_start3A_483 = tpu.memref_squeeze %dma_start3A_482 : memref<1x!tpu.dma_semaphore, #tpu.memory_space<semaphore_mem>> -> memref<!tpu.dma_semaphore, #tpu.memory_space<semaphore_mem>>
        tpu.enqueue_indirect_dma source(%dma_start3A_481 : memref<100000x128xf32, #tpu.memory_space<hbm>>) target(%dma_start3A_475 : memref<100x128xf32, #tpu.memory_space<vmem>>) offsets(%dma_start3A_478 : memref<100xi32, #tpu.memory_space<vmem>>) semaphore(%dma_start3A_483 : memref<!tpu.dma_semaphore, #tpu.memory_space<semaphore_mem>>) {add = true}
        %mul3A_484 = arith.constant 2 : i32
        %mul3A_485 = arith.muli %mul3A_484, %add3A_346 : i32
        %add3A_486 = arith.constant 1 : i32
        %add3A_487 = arith.addi %mul3A_485, %add3A_486 : i32
        %dma_start3A_488 = arith.constant 0 : i32
        %dma_start3A_489 = arith.constant 0 : i32
        %dma_start3A_490 = arith.constant 100 : i32
        %dma_start3A_491 = arith.constant 0 : i32
        %dma_start3A_492 = tpu.memref_slice %arg8[%dma_start3A_488, %dma_start3A_490, %dma_start3A_491] : memref<4x200x128xf32, #tpu.memory_space<vmem>> -> memref<1x100x128xf32, #tpu.memory_space<vmem>>
        %dma_start3A_493 = tpu.memref_squeeze %dma_start3A_492 : memref<1x100x128xf32, #tpu.memory_space<vmem>> -> memref<100x128xf32, #tpu.memory_space<vmem>>
        %dma_start3A_494 = arith.constant 0 : i32
        %dma_start3A_495 = tpu.memref_slice %arg6[%add3A_487, %dma_start3A_494] : memref<64x100xi32, #tpu.memory_space<vmem>> -> memref<1x100xi32, #tpu.memory_space<vmem>>
        %dma_start3A_496 = tpu.memref_squeeze %dma_start3A_495 : memref<1x100xi32, #tpu.memory_space<vmem>> -> memref<100xi32, #tpu.memory_space<vmem>>
        %dma_start3A_497 = arith.constant 0 : i32
        %dma_start3A_498 = arith.constant 0 : i32
        %dma_start3A_499 = tpu.memref_slice %arg3[%dma_start3A_497, %dma_start3A_498] : memref<100000x128xf32, #tpu.memory_space<hbm>> -> memref<100000x128xf32, #tpu.memory_space<hbm>>
        %dma_start3A_500 = tpu.memref_slice %arg9[%dma_start3A_489] : memref<4x!tpu.dma_semaphore, #tpu.memory_space<semaphore_mem>> -> memref<1x!tpu.dma_semaphore, #tpu.memory_space<semaphore_mem>>
        %dma_start3A_501 = tpu.memref_squeeze %dma_start3A_500 : memref<1x!tpu.dma_semaphore, #tpu.memory_space<semaphore_mem>> -> memref<!tpu.dma_semaphore, #tpu.memory_space<semaphore_mem>>
        tpu.enqueue_indirect_dma source(%dma_start3A_499 : memref<100000x128xf32, #tpu.memory_space<hbm>>) target(%dma_start3A_493 : memref<100x128xf32, #tpu.memory_space<vmem>>) offsets(%dma_start3A_496 : memref<100xi32, #tpu.memory_space<vmem>>) semaphore(%dma_start3A_501 : memref<!tpu.dma_semaphore, #tpu.memory_space<semaphore_mem>>) {add = true}
      } else {
      }
      %dma_wait3A_352 = arith.constant 0 : i32
      %dma_wait3A_353 = arith.constant 2 : i32
      %dma_wait3A_354 = arith.constant 2 : i32
      %dma_wait3A_355 = arith.constant 0 : i32
      %dma_wait3A_356 = arith.constant 0 : i32
      %dma_wait3A_357 = tpu.memref_slice %arg8[%dma_wait3A_353, %dma_wait3A_355, %dma_wait3A_356] : memref<4x200x128xf32, #tpu.memory_space<vmem>> -> memref<1x200x128xf32, #tpu.memory_space<vmem>>
      %dma_wait3A_358 = tpu.memref_squeeze %dma_wait3A_357 : memref<1x200x128xf32, #tpu.memory_space<vmem>> -> memref<200x128xf32, #tpu.memory_space<vmem>>
      %dma_wait3A_359 = arith.constant 0 : i32
      %dma_wait3A_360 = arith.constant 0 : i32
      %dma_wait3A_361 = tpu.memref_slice %arg5[%dma_wait3A_352, %dma_wait3A_359, %dma_wait3A_360] : memref<1024x200x128xf32, #tpu.memory_space<hbm>> -> memref<1x200x128xf32, #tpu.memory_space<hbm>>
      %dma_wait3A_362 = tpu.memref_squeeze %dma_wait3A_361 : memref<1x200x128xf32, #tpu.memory_space<hbm>> -> memref<200x128xf32, #tpu.memory_space<hbm>>
      %dma_wait3A_363 = tpu.memref_slice %arg9[%dma_wait3A_354] : memref<4x!tpu.dma_semaphore, #tpu.memory_space<semaphore_mem>> -> memref<1x!tpu.dma_semaphore, #tpu.memory_space<semaphore_mem>>
      %dma_wait3A_364 = tpu.memref_squeeze %dma_wait3A_363 : memref<1x!tpu.dma_semaphore, #tpu.memory_space<semaphore_mem>> -> memref<!tpu.dma_semaphore, #tpu.memory_space<semaphore_mem>>
      %dma_wait3A_365 = arith.constant 0 : i32
      %dma_wait3A_366 = arith.constant 0 : i32
      %dma_wait3A_367 = tpu.memref_slice %arg8[%dma_wait3A_353, %dma_wait3A_365, %dma_wait3A_366] : memref<4x200x128xf32, #tpu.memory_space<vmem>> -> memref<1x200x128xf32, #tpu.memory_space<vmem>>
      %dma_wait3A_368 = tpu.memref_squeeze %dma_wait3A_367 : memref<1x200x128xf32, #tpu.memory_space<vmem>> -> memref<200x128xf32, #tpu.memory_space<vmem>>
      %dma_wait3A_369 = arith.constant 0 : i32
      %dma_wait3A_370 = arith.constant 0 : i32
      %dma_wait3A_371 = tpu.memref_slice %arg5[%dma_wait3A_352, %dma_wait3A_369, %dma_wait3A_370] : memref<1024x200x128xf32, #tpu.memory_space<hbm>> -> memref<1x200x128xf32, #tpu.memory_space<hbm>>
      %dma_wait3A_372 = tpu.memref_squeeze %dma_wait3A_371 : memref<1x200x128xf32, #tpu.memory_space<hbm>> -> memref<200x128xf32, #tpu.memory_space<hbm>>
      tpu.wait_dma2 semaphore(%dma_wait3A_364 : memref<!tpu.dma_semaphore, #tpu.memory_space<semaphore_mem>>) src(%dma_wait3A_372 : memref<200x128xf32, #tpu.memory_space<hbm>>) dst(%dma_wait3A_368 : memref<200x128xf32, #tpu.memory_space<vmem>>)
      %add3A_373 = arith.addi %mul3A_2, %add3A_337 : i32
      %dma_start3A_374 = arith.constant 2 : i32
      %dma_start3A_375 = arith.constant 2 : i32
      %dma_start3A_376 = arith.constant 0 : i32
      %dma_start3A_377 = arith.constant 0 : i32
      %dma_start3A_378 = tpu.memref_slice %arg8[%dma_start3A_374, %dma_start3A_376, %dma_start3A_377] : memref<4x200x128xf32, #tpu.memory_space<vmem>> -> memref<1x200x128xf32, #tpu.memory_space<vmem>>
      %dma_start3A_379 = tpu.memref_squeeze %dma_start3A_378 : memref<1x200x128xf32, #tpu.memory_space<vmem>> -> memref<200x128xf32, #tpu.memory_space<vmem>>
      %dma_start3A_380 = arith.constant 0 : i32
      %dma_start3A_381 = arith.constant 0 : i32
      %dma_start3A_382 = tpu.memref_slice %arg5[%add3A_373, %dma_start3A_380, %dma_start3A_381] : memref<1024x200x128xf32, #tpu.memory_space<hbm>> -> memref<1x200x128xf32, #tpu.memory_space<hbm>>
      %dma_start3A_383 = tpu.memref_squeeze %dma_start3A_382 : memref<1x200x128xf32, #tpu.memory_space<hbm>> -> memref<200x128xf32, #tpu.memory_space<hbm>>
      %dma_start3A_384 = tpu.memref_slice %arg10[%dma_start3A_375] : memref<4x!tpu.dma_semaphore, #tpu.memory_space<semaphore_mem>> -> memref<1x!tpu.dma_semaphore, #tpu.memory_space<semaphore_mem>>
      %dma_start3A_385 = tpu.memref_squeeze %dma_start3A_384 : memref<1x!tpu.dma_semaphore, #tpu.memory_space<semaphore_mem>> -> memref<!tpu.dma_semaphore, #tpu.memory_space<semaphore_mem>>
      %dma_start3A_386 = arith.constant 0 : i32
      %dma_start3A_387 = arith.constant 0 : i32
      %dma_start3A_388 = tpu.memref_slice %arg5[%add3A_373, %dma_start3A_386, %dma_start3A_387] : memref<1024x200x128xf32, #tpu.memory_space<hbm>> -> memref<1x200x128xf32, #tpu.memory_space<hbm>>
      %dma_start3A_389 = tpu.memref_squeeze %dma_start3A_388 : memref<1x200x128xf32, #tpu.memory_space<hbm>> -> memref<200x128xf32, #tpu.memory_space<hbm>>
      %dma_start3A_390 = arith.constant 0 : i32
      %dma_start3A_391 = arith.constant 0 : i32
      %dma_start3A_392 = tpu.memref_slice %arg8[%dma_start3A_374, %dma_start3A_390, %dma_start3A_391] : memref<4x200x128xf32, #tpu.memory_space<vmem>> -> memref<1x200x128xf32, #tpu.memory_space<vmem>>
      %dma_start3A_393 = tpu.memref_squeeze %dma_start3A_392 : memref<1x200x128xf32, #tpu.memory_space<vmem>> -> memref<200x128xf32, #tpu.memory_space<vmem>>
      tpu.enqueue_dma source(%dma_start3A_393 : memref<200x128xf32, #tpu.memory_space<vmem>>) target(%dma_start3A_389 : memref<200x128xf32, #tpu.memory_space<hbm>>) target_semaphore(%dma_start3A_385 : memref<!tpu.dma_semaphore, #tpu.memory_space<semaphore_mem>>)
      %mul3A_394 = arith.constant 4 : i32
      %mul3A_395 = arith.muli %mul3A_394, %scan3A_214 : i32
      %add3A_396 = arith.constant 3 : i32
      %add3A_397 = arith.addi %mul3A_395, %add3A_396 : i32
      %add3A_398 = arith.constant 3 : i32
      %add3A_399 = arith.addi %add3A_397, %add3A_398 : i32
      %lt3A_400 = arith.constant 32 : i32
      %lt3A_401 = arith.cmpi slt, %add3A_399, %lt3A_400 : i32
      %convert_element_type3A_402 = arith.extui %lt3A_401 : i1 to i32
      %cond3A_403 = arith.constant 0 : i32
      %cond3A_404 = arith.cmpi ne, %convert_element_type3A_402, %cond3A_403 : i32
      scf.if %cond3A_404 {
        %ge3A = arith.constant 4 : i32
        %ge3A_454 = arith.cmpi sge, %add3A_399, %ge3A : i32
        %convert_element_type3A_455 = arith.extui %ge3A_454 : i1 to i32
        %cond3A_456 = arith.constant 0 : i32
        %cond3A_457 = arith.cmpi ne, %convert_element_type3A_455, %cond3A_456 : i32
        scf.if %cond3A_457 {
          %dma_wait3A_470 = arith.constant 2 : i32
          %dma_wait3A_471 = arith.constant 0 : i32
          %dma_wait3A_472 = arith.constant 2 : i32
          %dma_wait3A_473 = arith.constant 0 : i32
          %dma_wait3A_474 = arith.constant 0 : i32
          %dma_wait3A_475 = tpu.memref_slice %arg8[%dma_wait3A_470, %dma_wait3A_473, %dma_wait3A_474] : memref<4x200x128xf32, #tpu.memory_space<vmem>> -> memref<1x200x128xf32, #tpu.memory_space<vmem>>
          %dma_wait3A_476 = tpu.memref_squeeze %dma_wait3A_475 : memref<1x200x128xf32, #tpu.memory_space<vmem>> -> memref<200x128xf32, #tpu.memory_space<vmem>>
          %dma_wait3A_477 = arith.constant 0 : i32
          %dma_wait3A_478 = arith.constant 0 : i32
          %dma_wait3A_479 = tpu.memref_slice %arg5[%dma_wait3A_471, %dma_wait3A_477, %dma_wait3A_478] : memref<1024x200x128xf32, #tpu.memory_space<hbm>> -> memref<1x200x128xf32, #tpu.memory_space<hbm>>
          %dma_wait3A_480 = tpu.memref_squeeze %dma_wait3A_479 : memref<1x200x128xf32, #tpu.memory_space<hbm>> -> memref<200x128xf32, #tpu.memory_space<hbm>>
          %dma_wait3A_481 = tpu.memref_slice %arg10[%dma_wait3A_472] : memref<4x!tpu.dma_semaphore, #tpu.memory_space<semaphore_mem>> -> memref<1x!tpu.dma_semaphore, #tpu.memory_space<semaphore_mem>>
          %dma_wait3A_482 = tpu.memref_squeeze %dma_wait3A_481 : memref<1x!tpu.dma_semaphore, #tpu.memory_space<semaphore_mem>> -> memref<!tpu.dma_semaphore, #tpu.memory_space<semaphore_mem>>
          %dma_wait3A_483 = arith.constant 0 : i32
          %dma_wait3A_484 = arith.constant 0 : i32
          %dma_wait3A_485 = tpu.memref_slice %arg5[%dma_wait3A_471, %dma_wait3A_483, %dma_wait3A_484] : memref<1024x200x128xf32, #tpu.memory_space<hbm>> -> memref<1x200x128xf32, #tpu.memory_space<hbm>>
          %dma_wait3A_486 = tpu.memref_squeeze %dma_wait3A_485 : memref<1x200x128xf32, #tpu.memory_space<hbm>> -> memref<200x128xf32, #tpu.memory_space<hbm>>
          %dma_wait3A_487 = arith.constant 0 : i32
          %dma_wait3A_488 = arith.constant 0 : i32
          %dma_wait3A_489 = tpu.memref_slice %arg8[%dma_wait3A_470, %dma_wait3A_487, %dma_wait3A_488] : memref<4x200x128xf32, #tpu.memory_space<vmem>> -> memref<1x200x128xf32, #tpu.memory_space<vmem>>
          %dma_wait3A_490 = tpu.memref_squeeze %dma_wait3A_489 : memref<1x200x128xf32, #tpu.memory_space<vmem>> -> memref<200x128xf32, #tpu.memory_space<vmem>>
          tpu.wait_dma2 semaphore(%dma_wait3A_482 : memref<!tpu.dma_semaphore, #tpu.memory_space<semaphore_mem>>) src(%dma_wait3A_490 : memref<200x128xf32, #tpu.memory_space<vmem>>) dst(%dma_wait3A_486 : memref<200x128xf32, #tpu.memory_space<hbm>>)
        } else {
        }
        %dma_start3A_458 = arith.constant 2 : i32
        %dma_start3A_459 = arith.constant 2 : i32
        %dma_start3A_460 = arith.constant 0 : i32
        %dma_start3A_461 = arith.constant 0 : i32
        %dma_start3A_462 = tpu.memref_slice %arg8[%dma_start3A_458, %dma_start3A_460, %dma_start3A_461] : memref<4x200x128xf32, #tpu.memory_space<vmem>> -> memref<1x200x128xf32, #tpu.memory_space<vmem>>
        %dma_start3A_463 = tpu.memref_squeeze %dma_start3A_462 : memref<1x200x128xf32, #tpu.memory_space<vmem>> -> memref<200x128xf32, #tpu.memory_space<vmem>>
        %dma_start3A_464 = tpu.memref_slice %arg11[%dma_start3A_459] : memref<4x!tpu.dma_semaphore, #tpu.memory_space<semaphore_mem>> -> memref<1x!tpu.dma_semaphore, #tpu.memory_space<semaphore_mem>>
        %dma_start3A_465 = tpu.memref_squeeze %dma_start3A_464 : memref<1x!tpu.dma_semaphore, #tpu.memory_space<semaphore_mem>> -> memref<!tpu.dma_semaphore, #tpu.memory_space<semaphore_mem>>
        %dma_start3A_466 = arith.constant 0 : i32
        %dma_start3A_467 = arith.constant 0 : i32
        %dma_start3A_468 = tpu.memref_slice %arg8[%dma_start3A_458, %dma_start3A_466, %dma_start3A_467] : memref<4x200x128xf32, #tpu.memory_space<vmem>> -> memref<1x200x128xf32, #tpu.memory_space<vmem>>
        %dma_start3A_469 = tpu.memref_squeeze %dma_start3A_468 : memref<1x200x128xf32, #tpu.memory_space<vmem>> -> memref<200x128xf32, #tpu.memory_space<vmem>>
        tpu.enqueue_dma source(%arg7 : memref<200x128xf32, #tpu.memory_space<vmem_shared>>) target(%dma_start3A_469 : memref<200x128xf32, #tpu.memory_space<vmem>>) target_semaphore(%dma_start3A_465 : memref<!tpu.dma_semaphore, #tpu.memory_space<semaphore_mem>>)
      } else {
      }
      %add3A_405 = arith.constant 2 : i32
      %add3A_406 = arith.addi %add3A_397, %add3A_405 : i32
      %lt3A_407 = arith.constant 32 : i32
      %lt3A_408 = arith.cmpi slt, %add3A_406, %lt3A_407 : i32
      %convert_element_type3A_409 = arith.extui %lt3A_408 : i1 to i32
      %cond3A_410 = arith.constant 0 : i32
      %cond3A_411 = arith.cmpi ne, %convert_element_type3A_409, %cond3A_410 : i32
      scf.if %cond3A_411 {
        %dma_wait3A_454 = arith.constant 1 : i32
        %dma_wait3A_455 = arith.constant 1 : i32
        %dma_wait3A_456 = arith.constant 0 : i32
        %dma_wait3A_457 = arith.constant 0 : i32
        %dma_wait3A_458 = tpu.memref_slice %arg8[%dma_wait3A_454, %dma_wait3A_456, %dma_wait3A_457] : memref<4x200x128xf32, #tpu.memory_space<vmem>> -> memref<1x200x128xf32, #tpu.memory_space<vmem>>
        %dma_wait3A_459 = tpu.memref_squeeze %dma_wait3A_458 : memref<1x200x128xf32, #tpu.memory_space<vmem>> -> memref<200x128xf32, #tpu.memory_space<vmem>>
        %dma_wait3A_460 = tpu.memref_slice %arg11[%dma_wait3A_455] : memref<4x!tpu.dma_semaphore, #tpu.memory_space<semaphore_mem>> -> memref<1x!tpu.dma_semaphore, #tpu.memory_space<semaphore_mem>>
        %dma_wait3A_461 = tpu.memref_squeeze %dma_wait3A_460 : memref<1x!tpu.dma_semaphore, #tpu.memory_space<semaphore_mem>> -> memref<!tpu.dma_semaphore, #tpu.memory_space<semaphore_mem>>
        %dma_wait3A_462 = arith.constant 0 : i32
        %dma_wait3A_463 = arith.constant 0 : i32
        %dma_wait3A_464 = tpu.memref_slice %arg8[%dma_wait3A_454, %dma_wait3A_462, %dma_wait3A_463] : memref<4x200x128xf32, #tpu.memory_space<vmem>> -> memref<1x200x128xf32, #tpu.memory_space<vmem>>
        %dma_wait3A_465 = tpu.memref_squeeze %dma_wait3A_464 : memref<1x200x128xf32, #tpu.memory_space<vmem>> -> memref<200x128xf32, #tpu.memory_space<vmem>>
        tpu.wait_dma2 semaphore(%dma_wait3A_461 : memref<!tpu.dma_semaphore, #tpu.memory_space<semaphore_mem>>) src(%arg7 : memref<200x128xf32, #tpu.memory_space<vmem_shared>>) dst(%dma_wait3A_465 : memref<200x128xf32, #tpu.memory_space<vmem>>)
        %mul3A_466 = arith.constant 2 : i32
        %mul3A_467 = arith.muli %mul3A_466, %add3A_406 : i32
        %add3A_468 = arith.constant 0 : i32
        %add3A_469 = arith.addi %mul3A_467, %add3A_468 : i32
        %dma_start3A_470 = arith.constant 1 : i32
        %dma_start3A_471 = arith.constant 1 : i32
        %dma_start3A_472 = arith.constant 0 : i32
        %dma_start3A_473 = arith.constant 0 : i32
        %dma_start3A_474 = tpu.memref_slice %arg8[%dma_start3A_470, %dma_start3A_472, %dma_start3A_473] : memref<4x200x128xf32, #tpu.memory_space<vmem>> -> memref<1x100x128xf32, #tpu.memory_space<vmem>>
        %dma_start3A_475 = tpu.memref_squeeze %dma_start3A_474 : memref<1x100x128xf32, #tpu.memory_space<vmem>> -> memref<100x128xf32, #tpu.memory_space<vmem>>
        %dma_start3A_476 = arith.constant 0 : i32
        %dma_start3A_477 = tpu.memref_slice %arg6[%add3A_469, %dma_start3A_476] : memref<64x100xi32, #tpu.memory_space<vmem>> -> memref<1x100xi32, #tpu.memory_space<vmem>>
        %dma_start3A_478 = tpu.memref_squeeze %dma_start3A_477 : memref<1x100xi32, #tpu.memory_space<vmem>> -> memref<100xi32, #tpu.memory_space<vmem>>
        %dma_start3A_479 = arith.constant 0 : i32
        %dma_start3A_480 = arith.constant 0 : i32
        %dma_start3A_481 = tpu.memref_slice %arg3[%dma_start3A_479, %dma_start3A_480] : memref<100000x128xf32, #tpu.memory_space<hbm>> -> memref<100000x128xf32, #tpu.memory_space<hbm>>
        %dma_start3A_482 = tpu.memref_slice %arg9[%dma_start3A_471] : memref<4x!tpu.dma_semaphore, #tpu.memory_space<semaphore_mem>> -> memref<1x!tpu.dma_semaphore, #tpu.memory_space<semaphore_mem>>
        %dma_start3A_483 = tpu.memref_squeeze %dma_start3A_482 : memref<1x!tpu.dma_semaphore, #tpu.memory_space<semaphore_mem>> -> memref<!tpu.dma_semaphore, #tpu.memory_space<semaphore_mem>>
        tpu.enqueue_indirect_dma source(%dma_start3A_481 : memref<100000x128xf32, #tpu.memory_space<hbm>>) target(%dma_start3A_475 : memref<100x128xf32, #tpu.memory_space<vmem>>) offsets(%dma_start3A_478 : memref<100xi32, #tpu.memory_space<vmem>>) semaphore(%dma_start3A_483 : memref<!tpu.dma_semaphore, #tpu.memory_space<semaphore_mem>>) {add = true}
        %mul3A_484 = arith.constant 2 : i32
        %mul3A_485 = arith.muli %mul3A_484, %add3A_406 : i32
        %add3A_486 = arith.constant 1 : i32
        %add3A_487 = arith.addi %mul3A_485, %add3A_486 : i32
        %dma_start3A_488 = arith.constant 1 : i32
        %dma_start3A_489 = arith.constant 1 : i32
        %dma_start3A_490 = arith.constant 100 : i32
        %dma_start3A_491 = arith.constant 0 : i32
        %dma_start3A_492 = tpu.memref_slice %arg8[%dma_start3A_488, %dma_start3A_490, %dma_start3A_491] : memref<4x200x128xf32, #tpu.memory_space<vmem>> -> memref<1x100x128xf32, #tpu.memory_space<vmem>>
        %dma_start3A_493 = tpu.memref_squeeze %dma_start3A_492 : memref<1x100x128xf32, #tpu.memory_space<vmem>> -> memref<100x128xf32, #tpu.memory_space<vmem>>
        %dma_start3A_494 = arith.constant 0 : i32
        %dma_start3A_495 = tpu.memref_slice %arg6[%add3A_487, %dma_start3A_494] : memref<64x100xi32, #tpu.memory_space<vmem>> -> memref<1x100xi32, #tpu.memory_space<vmem>>
        %dma_start3A_496 = tpu.memref_squeeze %dma_start3A_495 : memref<1x100xi32, #tpu.memory_space<vmem>> -> memref<100xi32, #tpu.memory_space<vmem>>
        %dma_start3A_497 = arith.constant 0 : i32
        %dma_start3A_498 = arith.constant 0 : i32
        %dma_start3A_499 = tpu.memref_slice %arg3[%dma_start3A_497, %dma_start3A_498] : memref<100000x128xf32, #tpu.memory_space<hbm>> -> memref<100000x128xf32, #tpu.memory_space<hbm>>
        %dma_start3A_500 = tpu.memref_slice %arg9[%dma_start3A_489] : memref<4x!tpu.dma_semaphore, #tpu.memory_space<semaphore_mem>> -> memref<1x!tpu.dma_semaphore, #tpu.memory_space<semaphore_mem>>
        %dma_start3A_501 = tpu.memref_squeeze %dma_start3A_500 : memref<1x!tpu.dma_semaphore, #tpu.memory_space<semaphore_mem>> -> memref<!tpu.dma_semaphore, #tpu.memory_space<semaphore_mem>>
        tpu.enqueue_indirect_dma source(%dma_start3A_499 : memref<100000x128xf32, #tpu.memory_space<hbm>>) target(%dma_start3A_493 : memref<100x128xf32, #tpu.memory_space<vmem>>) offsets(%dma_start3A_496 : memref<100xi32, #tpu.memory_space<vmem>>) semaphore(%dma_start3A_501 : memref<!tpu.dma_semaphore, #tpu.memory_space<semaphore_mem>>) {add = true}
      } else {
      }
      %dma_wait3A_412 = arith.constant 0 : i32
      %dma_wait3A_413 = arith.constant 3 : i32
      %dma_wait3A_414 = arith.constant 3 : i32
      %dma_wait3A_415 = arith.constant 0 : i32
      %dma_wait3A_416 = arith.constant 0 : i32
      %dma_wait3A_417 = tpu.memref_slice %arg8[%dma_wait3A_413, %dma_wait3A_415, %dma_wait3A_416] : memref<4x200x128xf32, #tpu.memory_space<vmem>> -> memref<1x200x128xf32, #tpu.memory_space<vmem>>
      %dma_wait3A_418 = tpu.memref_squeeze %dma_wait3A_417 : memref<1x200x128xf32, #tpu.memory_space<vmem>> -> memref<200x128xf32, #tpu.memory_space<vmem>>
      %dma_wait3A_419 = arith.constant 0 : i32
      %dma_wait3A_420 = arith.constant 0 : i32
      %dma_wait3A_421 = tpu.memref_slice %arg5[%dma_wait3A_412, %dma_wait3A_419, %dma_wait3A_420] : memref<1024x200x128xf32, #tpu.memory_space<hbm>> -> memref<1x200x128xf32, #tpu.memory_space<hbm>>
      %dma_wait3A_422 = tpu.memref_squeeze %dma_wait3A_421 : memref<1x200x128xf32, #tpu.memory_space<hbm>> -> memref<200x128xf32, #tpu.memory_space<hbm>>
      %dma_wait3A_423 = tpu.memref_slice %arg9[%dma_wait3A_414] : memref<4x!tpu.dma_semaphore, #tpu.memory_space<semaphore_mem>> -> memref<1x!tpu.dma_semaphore, #tpu.memory_space<semaphore_mem>>
      %dma_wait3A_424 = tpu.memref_squeeze %dma_wait3A_423 : memref<1x!tpu.dma_semaphore, #tpu.memory_space<semaphore_mem>> -> memref<!tpu.dma_semaphore, #tpu.memory_space<semaphore_mem>>
      %dma_wait3A_425 = arith.constant 0 : i32
      %dma_wait3A_426 = arith.constant 0 : i32
      %dma_wait3A_427 = tpu.memref_slice %arg8[%dma_wait3A_413, %dma_wait3A_425, %dma_wait3A_426] : memref<4x200x128xf32, #tpu.memory_space<vmem>> -> memref<1x200x128xf32, #tpu.memory_space<vmem>>
      %dma_wait3A_428 = tpu.memref_squeeze %dma_wait3A_427 : memref<1x200x128xf32, #tpu.memory_space<vmem>> -> memref<200x128xf32, #tpu.memory_space<vmem>>
      %dma_wait3A_429 = arith.constant 0 : i32
      %dma_wait3A_430 = arith.constant 0 : i32
      %dma_wait3A_431 = tpu.memref_slice %arg5[%dma_wait3A_412, %dma_wait3A_429, %dma_wait3A_430] : memref<1024x200x128xf32, #tpu.memory_space<hbm>> -> memref<1x200x128xf32, #tpu.memory_space<hbm>>
      %dma_wait3A_432 = tpu.memref_squeeze %dma_wait3A_431 : memref<1x200x128xf32, #tpu.memory_space<hbm>> -> memref<200x128xf32, #tpu.memory_space<hbm>>
      tpu.wait_dma2 semaphore(%dma_wait3A_424 : memref<!tpu.dma_semaphore, #tpu.memory_space<semaphore_mem>>) src(%dma_wait3A_432 : memref<200x128xf32, #tpu.memory_space<hbm>>) dst(%dma_wait3A_428 : memref<200x128xf32, #tpu.memory_space<vmem>>)
      %add3A_433 = arith.addi %mul3A_2, %add3A_397 : i32
      %dma_start3A_434 = arith.constant 3 : i32
      %dma_start3A_435 = arith.constant 3 : i32
      %dma_start3A_436 = arith.constant 0 : i32
      %dma_start3A_437 = arith.constant 0 : i32
      %dma_start3A_438 = tpu.memref_slice %arg8[%dma_start3A_434, %dma_start3A_436, %dma_start3A_437] : memref<4x200x128xf32, #tpu.memory_space<vmem>> -> memref<1x200x128xf32, #tpu.memory_space<vmem>>
      %dma_start3A_439 = tpu.memref_squeeze %dma_start3A_438 : memref<1x200x128xf32, #tpu.memory_space<vmem>> -> memref<200x128xf32, #tpu.memory_space<vmem>>
      %dma_start3A_440 = arith.constant 0 : i32
      %dma_start3A_441 = arith.constant 0 : i32
      %dma_start3A_442 = tpu.memref_slice %arg5[%add3A_433, %dma_start3A_440, %dma_start3A_441] : memref<1024x200x128xf32, #tpu.memory_space<hbm>> -> memref<1x200x128xf32, #tpu.memory_space<hbm>>
      %dma_start3A_443 = tpu.memref_squeeze %dma_start3A_442 : memref<1x200x128xf32, #tpu.memory_space<hbm>> -> memref<200x128xf32, #tpu.memory_space<hbm>>
      %dma_start3A_444 = tpu.memref_slice %arg10[%dma_start3A_435] : memref<4x!tpu.dma_semaphore, #tpu.memory_space<semaphore_mem>> -> memref<1x!tpu.dma_semaphore, #tpu.memory_space<semaphore_mem>>
      %dma_start3A_445 = tpu.memref_squeeze %dma_start3A_444 : memref<1x!tpu.dma_semaphore, #tpu.memory_space<semaphore_mem>> -> memref<!tpu.dma_semaphore, #tpu.memory_space<semaphore_mem>>
      %dma_start3A_446 = arith.constant 0 : i32
      %dma_start3A_447 = arith.constant 0 : i32
      %dma_start3A_448 = tpu.memref_slice %arg5[%add3A_433, %dma_start3A_446, %dma_start3A_447] : memref<1024x200x128xf32, #tpu.memory_space<hbm>> -> memref<1x200x128xf32, #tpu.memory_space<hbm>>
      %dma_start3A_449 = tpu.memref_squeeze %dma_start3A_448 : memref<1x200x128xf32, #tpu.memory_space<hbm>> -> memref<200x128xf32, #tpu.memory_space<hbm>>
      %dma_start3A_450 = arith.constant 0 : i32
      %dma_start3A_451 = arith.constant 0 : i32
      %dma_start3A_452 = tpu.memref_slice %arg8[%dma_start3A_434, %dma_start3A_450, %dma_start3A_451] : memref<4x200x128xf32, #tpu.memory_space<vmem>> -> memref<1x200x128xf32, #tpu.memory_space<vmem>>
      %dma_start3A_453 = tpu.memref_squeeze %dma_start3A_452 : memref<1x200x128xf32, #tpu.memory_space<vmem>> -> memref<200x128xf32, #tpu.memory_space<vmem>>
      tpu.enqueue_dma source(%dma_start3A_453 : memref<200x128xf32, #tpu.memory_space<vmem>>) target(%dma_start3A_449 : memref<200x128xf32, #tpu.memory_space<hbm>>) target_semaphore(%dma_start3A_445 : memref<!tpu.dma_semaphore, #tpu.memory_space<semaphore_mem>>)
    }
    %scan3A_129 = arith.constant 8 : i32
    %dma_wait3A_130 = arith.constant 0 : i32
    %dma_wait3A_131 = arith.constant 0 : i32
    %dma_wait3A_132 = arith.constant 0 : i32
    %dma_wait3A_133 = arith.constant 0 : i32
    %dma_wait3A_134 = arith.constant 0 : i32
    %dma_wait3A_135 = tpu.memref_slice %arg8[%dma_wait3A_130, %dma_wait3A_133, %dma_wait3A_134] : memref<4x200x128xf32, #tpu.memory_space<vmem>> -> memref<1x200x128xf32, #tpu.memory_space<vmem>>
    %dma_wait3A_136 = tpu.memref_squeeze %dma_wait3A_135 : memref<1x200x128xf32, #tpu.memory_space<vmem>> -> memref<200x128xf32, #tpu.memory_space<vmem>>
    %dma_wait3A_137 = arith.constant 0 : i32
    %dma_wait3A_138 = arith.constant 0 : i32
    %dma_wait3A_139 = tpu.memref_slice %arg5[%dma_wait3A_131, %dma_wait3A_137, %dma_wait3A_138] : memref<1024x200x128xf32, #tpu.memory_space<hbm>> -> memref<1x200x128xf32, #tpu.memory_space<hbm>>
    %dma_wait3A_140 = tpu.memref_squeeze %dma_wait3A_139 : memref<1x200x128xf32, #tpu.memory_space<hbm>> -> memref<200x128xf32, #tpu.memory_space<hbm>>
    %dma_wait3A_141 = tpu.memref_slice %arg10[%dma_wait3A_132] : memref<4x!tpu.dma_semaphore, #tpu.memory_space<semaphore_mem>> -> memref<1x!tpu.dma_semaphore, #tpu.memory_space<semaphore_mem>>
    %dma_wait3A_142 = tpu.memref_squeeze %dma_wait3A_141 : memref<1x!tpu.dma_semaphore, #tpu.memory_space<semaphore_mem>> -> memref<!tpu.dma_semaphore, #tpu.memory_space<semaphore_mem>>
    %dma_wait3A_143 = arith.constant 0 : i32
    %dma_wait3A_144 = arith.constant 0 : i32
    %dma_wait3A_145 = tpu.memref_slice %arg5[%dma_wait3A_131, %dma_wait3A_143, %dma_wait3A_144] : memref<1024x200x128xf32, #tpu.memory_space<hbm>> -> memref<1x200x128xf32, #tpu.memory_space<hbm>>
    %dma_wait3A_146 = tpu.memref_squeeze %dma_wait3A_145 : memref<1x200x128xf32, #tpu.memory_space<hbm>> -> memref<200x128xf32, #tpu.memory_space<hbm>>
    %dma_wait3A_147 = arith.constant 0 : i32
    %dma_wait3A_148 = arith.constant 0 : i32
    %dma_wait3A_149 = tpu.memref_slice %arg8[%dma_wait3A_130, %dma_wait3A_147, %dma_wait3A_148] : memref<4x200x128xf32, #tpu.memory_space<vmem>> -> memref<1x200x128xf32, #tpu.memory_space<vmem>>
    %dma_wait3A_150 = tpu.memref_squeeze %dma_wait3A_149 : memref<1x200x128xf32, #tpu.memory_space<vmem>> -> memref<200x128xf32, #tpu.memory_space<vmem>>
    tpu.wait_dma2 semaphore(%dma_wait3A_142 : memref<!tpu.dma_semaphore, #tpu.memory_space<semaphore_mem>>) src(%dma_wait3A_150 : memref<200x128xf32, #tpu.memory_space<vmem>>) dst(%dma_wait3A_146 : memref<200x128xf32, #tpu.memory_space<hbm>>)
    %dma_wait3A_151 = arith.constant 1 : i32
    %dma_wait3A_152 = arith.constant 0 : i32
    %dma_wait3A_153 = arith.constant 1 : i32
    %dma_wait3A_154 = arith.constant 0 : i32
    %dma_wait3A_155 = arith.constant 0 : i32
    %dma_wait3A_156 = tpu.memref_slice %arg8[%dma_wait3A_151, %dma_wait3A_154, %dma_wait3A_155] : memref<4x200x128xf32, #tpu.memory_space<vmem>> -> memref<1x200x128xf32, #tpu.memory_space<vmem>>
    %dma_wait3A_157 = tpu.memref_squeeze %dma_wait3A_156 : memref<1x200x128xf32, #tpu.memory_space<vmem>> -> memref<200x128xf32, #tpu.memory_space<vmem>>
    %dma_wait3A_158 = arith.constant 0 : i32
    %dma_wait3A_159 = arith.constant 0 : i32
    %dma_wait3A_160 = tpu.memref_slice %arg5[%dma_wait3A_152, %dma_wait3A_158, %dma_wait3A_159] : memref<1024x200x128xf32, #tpu.memory_space<hbm>> -> memref<1x200x128xf32, #tpu.memory_space<hbm>>
    %dma_wait3A_161 = tpu.memref_squeeze %dma_wait3A_160 : memref<1x200x128xf32, #tpu.memory_space<hbm>> -> memref<200x128xf32, #tpu.memory_space<hbm>>
    %dma_wait3A_162 = tpu.memref_slice %arg10[%dma_wait3A_153] : memref<4x!tpu.dma_semaphore, #tpu.memory_space<semaphore_mem>> -> memref<1x!tpu.dma_semaphore, #tpu.memory_space<semaphore_mem>>
    %dma_wait3A_163 = tpu.memref_squeeze %dma_wait3A_162 : memref<1x!tpu.dma_semaphore, #tpu.memory_space<semaphore_mem>> -> memref<!tpu.dma_semaphore, #tpu.memory_space<semaphore_mem>>
    %dma_wait3A_164 = arith.constant 0 : i32
    %dma_wait3A_165 = arith.constant 0 : i32
    %dma_wait3A_166 = tpu.memref_slice %arg5[%dma_wait3A_152, %dma_wait3A_164, %dma_wait3A_165] : memref<1024x200x128xf32, #tpu.memory_space<hbm>> -> memref<1x200x128xf32, #tpu.memory_space<hbm>>
    %dma_wait3A_167 = tpu.memref_squeeze %dma_wait3A_166 : memref<1x200x128xf32, #tpu.memory_space<hbm>> -> memref<200x128xf32, #tpu.memory_space<hbm>>
    %dma_wait3A_168 = arith.constant 0 : i32
    %dma_wait3A_169 = arith.constant 0 : i32
    %dma_wait3A_170 = tpu.memref_slice %arg8[%dma_wait3A_151, %dma_wait3A_168, %dma_wait3A_169] : memref<4x200x128xf32, #tpu.memory_space<vmem>> -> memref<1x200x128xf32, #tpu.memory_space<vmem>>
    %dma_wait3A_171 = tpu.memref_squeeze %dma_wait3A_170 : memref<1x200x128xf32, #tpu.memory_space<vmem>> -> memref<200x128xf32, #tpu.memory_space<vmem>>
    tpu.wait_dma2 semaphore(%dma_wait3A_163 : memref<!tpu.dma_semaphore, #tpu.memory_space<semaphore_mem>>) src(%dma_wait3A_171 : memref<200x128xf32, #tpu.memory_space<vmem>>) dst(%dma_wait3A_167 : memref<200x128xf32, #tpu.memory_space<hbm>>)
    %dma_wait3A_172 = arith.constant 2 : i32
    %dma_wait3A_173 = arith.constant 0 : i32
    %dma_wait3A_174 = arith.constant 2 : i32
    %dma_wait3A_175 = arith.constant 0 : i32
    %dma_wait3A_176 = arith.constant 0 : i32
    %dma_wait3A_177 = tpu.memref_slice %arg8[%dma_wait3A_172, %dma_wait3A_175, %dma_wait3A_176] : memref<4x200x128xf32, #tpu.memory_space<vmem>> -> memref<1x200x128xf32, #tpu.memory_space<vmem>>
    %dma_wait3A_178 = tpu.memref_squeeze %dma_wait3A_177 : memref<1x200x128xf32, #tpu.memory_space<vmem>> -> memref<200x128xf32, #tpu.memory_space<vmem>>
    %dma_wait3A_179 = arith.constant 0 : i32
    %dma_wait3A_180 = arith.constant 0 : i32
    %dma_wait3A_181 = tpu.memref_slice %arg5[%dma_wait3A_173, %dma_wait3A_179, %dma_wait3A_180] : memref<1024x200x128xf32, #tpu.memory_space<hbm>> -> memref<1x200x128xf32, #tpu.memory_space<hbm>>
    %dma_wait3A_182 = tpu.memref_squeeze %dma_wait3A_181 : memref<1x200x128xf32, #tpu.memory_space<hbm>> -> memref<200x128xf32, #tpu.memory_space<hbm>>
    %dma_wait3A_183 = tpu.memref_slice %arg10[%dma_wait3A_174] : memref<4x!tpu.dma_semaphore, #tpu.memory_space<semaphore_mem>> -> memref<1x!tpu.dma_semaphore, #tpu.memory_space<semaphore_mem>>
    %dma_wait3A_184 = tpu.memref_squeeze %dma_wait3A_183 : memref<1x!tpu.dma_semaphore, #tpu.memory_space<semaphore_mem>> -> memref<!tpu.dma_semaphore, #tpu.memory_space<semaphore_mem>>
    %dma_wait3A_185 = arith.constant 0 : i32
    %dma_wait3A_186 = arith.constant 0 : i32
    %dma_wait3A_187 = tpu.memref_slice %arg5[%dma_wait3A_173, %dma_wait3A_185, %dma_wait3A_186] : memref<1024x200x128xf32, #tpu.memory_space<hbm>> -> memref<1x200x128xf32, #tpu.memory_space<hbm>>
    %dma_wait3A_188 = tpu.memref_squeeze %dma_wait3A_187 : memref<1x200x128xf32, #tpu.memory_space<hbm>> -> memref<200x128xf32, #tpu.memory_space<hbm>>
    %dma_wait3A_189 = arith.constant 0 : i32
    %dma_wait3A_190 = arith.constant 0 : i32
    %dma_wait3A_191 = tpu.memref_slice %arg8[%dma_wait3A_172, %dma_wait3A_189, %dma_wait3A_190] : memref<4x200x128xf32, #tpu.memory_space<vmem>> -> memref<1x200x128xf32, #tpu.memory_space<vmem>>
    %dma_wait3A_192 = tpu.memref_squeeze %dma_wait3A_191 : memref<1x200x128xf32, #tpu.memory_space<vmem>> -> memref<200x128xf32, #tpu.memory_space<vmem>>
    tpu.wait_dma2 semaphore(%dma_wait3A_184 : memref<!tpu.dma_semaphore, #tpu.memory_space<semaphore_mem>>) src(%dma_wait3A_192 : memref<200x128xf32, #tpu.memory_space<vmem>>) dst(%dma_wait3A_188 : memref<200x128xf32, #tpu.memory_space<hbm>>)
    %dma_wait3A_193 = arith.constant 3 : i32
    %dma_wait3A_194 = arith.constant 0 : i32
    %dma_wait3A_195 = arith.constant 3 : i32
    %dma_wait3A_196 = arith.constant 0 : i32
    %dma_wait3A_197 = arith.constant 0 : i32
    %dma_wait3A_198 = tpu.memref_slice %arg8[%dma_wait3A_193, %dma_wait3A_196, %dma_wait3A_197] : memref<4x200x128xf32, #tpu.memory_space<vmem>> -> memref<1x200x128xf32, #tpu.memory_space<vmem>>
    %dma_wait3A_199 = tpu.memref_squeeze %dma_wait3A_198 : memref<1x200x128xf32, #tpu.memory_space<vmem>> -> memref<200x128xf32, #tpu.memory_space<vmem>>
    %dma_wait3A_200 = arith.constant 0 : i32
    %dma_wait3A_201 = arith.constant 0 : i32
    %dma_wait3A_202 = tpu.memref_slice %arg5[%dma_wait3A_194, %dma_wait3A_200, %dma_wait3A_201] : memref<1024x200x128xf32, #tpu.memory_space<hbm>> -> memref<1x200x128xf32, #tpu.memory_space<hbm>>
    %dma_wait3A_203 = tpu.memref_squeeze %dma_wait3A_202 : memref<1x200x128xf32, #tpu.memory_space<hbm>> -> memref<200x128xf32, #tpu.memory_space<hbm>>
    %dma_wait3A_204 = tpu.memref_slice %arg10[%dma_wait3A_195] : memref<4x!tpu.dma_semaphore, #tpu.memory_space<semaphore_mem>> -> memref<1x!tpu.dma_semaphore, #tpu.memory_space<semaphore_mem>>
    %dma_wait3A_205 = tpu.memref_squeeze %dma_wait3A_204 : memref<1x!tpu.dma_semaphore, #tpu.memory_space<semaphore_mem>> -> memref<!tpu.dma_semaphore, #tpu.memory_space<semaphore_mem>>
    %dma_wait3A_206 = arith.constant 0 : i32
    %dma_wait3A_207 = arith.constant 0 : i32
    %dma_wait3A_208 = tpu.memref_slice %arg5[%dma_wait3A_194, %dma_wait3A_206, %dma_wait3A_207] : memref<1024x200x128xf32, #tpu.memory_space<hbm>> -> memref<1x200x128xf32, #tpu.memory_space<hbm>>
    %dma_wait3A_209 = tpu.memref_squeeze %dma_wait3A_208 : memref<1x200x128xf32, #tpu.memory_space<hbm>> -> memref<200x128xf32, #tpu.memory_space<hbm>>
    %dma_wait3A_210 = arith.constant 0 : i32
    %dma_wait3A_211 = arith.constant 0 : i32
    %dma_wait3A_212 = tpu.memref_slice %arg8[%dma_wait3A_193, %dma_wait3A_210, %dma_wait3A_211] : memref<4x200x128xf32, #tpu.memory_space<vmem>> -> memref<1x200x128xf32, #tpu.memory_space<vmem>>
    %dma_wait3A_213 = tpu.memref_squeeze %dma_wait3A_212 : memref<1x200x128xf32, #tpu.memory_space<vmem>> -> memref<200x128xf32, #tpu.memory_space<vmem>>
    tpu.wait_dma2 semaphore(%dma_wait3A_205 : memref<!tpu.dma_semaphore, #tpu.memory_space<semaphore_mem>>) src(%dma_wait3A_213 : memref<200x128xf32, #tpu.memory_space<vmem>>) dst(%dma_wait3A_209 : memref<200x128xf32, #tpu.memory_space<hbm>>)
    return
  }
}

</mosaic_0001>

<sc_bundles>
// kernel: kernel.3.cloned.1.call-start
scs
__scs_entry_jumppad:
0x0: {  	(pc) =	sbr.rel $0x88, $3  }
0x1: {  	(tag) =	ssettag $0x0;
	lr =	simm.s32 $0x1  }
0x2: {  	[smem:$0x3F9F] =	sst lr;
	_ =	strace $0xD0000000  }
0x3: {  	_ = 	snop  }
0x4: {  	_ = 	snop  }
0x5: {  	_ = 	snop  }
0x6: {  	_ = 	snop  }
0x7: {  	_ = 	snop  }
__scs_overlays_trampoline_lowered:
0x8: {  	[smem:$0x3FAE] =	sst s0  }
0x9: {  	[smem:$0x3FAF] =	sst s1  }
0xa: {  	[smem:$0x3FB0] =	sst s2  }
0xb: {  	[smem:$0x3FB1] =	sst s3  }
0xc: {  	[smem:$0x3FB2] =	sst s4  }
0xd: {  	[smem:$0x3FB3] =	sst s5  }
0xe: {  	[smem:$0x3FB4] =	sst s6  }
0xf: {  	[smem:$0x3FB5] =	sst s7  }
0x10: {  	[smem:$0x3FB6] =	sst s8  }
0x11: {  	[smem:$0x3FB7] =	sst s9;
	s0 =	simm.s32 @!p0 $0x0  }
0x12: {  	s1 =	sld [smem:$0x3F9D];
	s0 =	simm.s32 @p0 $0x1  }
0x13: {  	[smem:$0x3FB8] =	sst s0;
	s0 =	simm.s32 @!p1 $0x0  }
0x14: {  	s2 =	sld [smem:$0x3F9C];
	s0 =	simm.s32 @p1 $0x1  }
0x15: {  	[smem:$0x3FB9] =	sst s0;
	s0 =	simm.s32 @!p2 $0x0  }
0x16: {  	s3 =	sld [smem:$0x3FDB];
	s0 =	simm.s32 @p2 $0x1  }
0x17: {  	s4 =	simm.s32 $0x1BF5;
	[smem:$0x3FBB] =	sst s0  }
0x18: {  	s0 =	sld [smem:$0x3F9E];
	_ =	swait.ge [sflag:s4], $0x0  }
0x19: {  	s7 =	sld [smem:$0x3F9F]  }
0x1a: {  	s8 =	sadd.s32 $0xFFFFE003, lr  }
0x1b: {  	s9 =	sadd.s32 $0xFFFFFEF7, lr;
	s5 =	simm.s32 $0xFFFFFFFF;
	p2 =	slt.u32 s8, $0xFFFFF086  }
0x1c: {  	p1 =	slt.u32 s9, $0xF7A;
	s5 =	simm.s32 @!p2 $0x0  }
0x1d: {  	s5 =	simm.s32 @p1 $0x1;
	p0 =	seq.s32 s7, s2  }
0x1e: {  	s7 =	smul.u32 @!p0 $0xF7A, s2;
	p2 =	seq.s32 @!p0 s5, $0x0  }
0x1f: {  	s9 =	smul.u32 $0xF7A, s1;
	s8 =	simm.s32 @!p0 $0x1BF5;
	p2 =	por !p2, p0  }
0x20: {  	[sflag:s8] =	ssyncset.s32 @!p0 $0xFFFFF086;
	s6 =	sadd.s32 @!p0 s3, s7;
	s7 =	simm.s32 @!p0 $0x108  }
0x21: {  	s3 =	sadd.s32 s3, s9;
	s6 =	sadd.s32 @!p0 $0x88, s6;
	s7 =	simm.s32 @p2 $0x1082  }
0x22: {  	[simem:s7], [sflag:s8] =	dma.local @!p0 [hbm:s6], $0xF7A  }
0x23: {  	s9 =	sor.u32 $0xD0000000, s2;
	s6 =	simm.s32 $0x108;
	_ =	swait.ge @!p0 [sflag:s8], $0x0  }
0x24: {  	s3 =	sadd.s32 $0x88, s3;
	s6 =	simm.s32 @!p1 $0x1082;
	[sflag:s4] =	ssyncset.s32 $0xFFFFF086  }
0x25: {  	[simem:s6], [sflag:s4] =	dma.local [hbm:s3], $0xF7A  }
0x26: {  	[smem:$0x3F9F] =	sst s1;
	(tag) =	ssettag s2;
	_ =	strace s9  }
0x27: {  	s1 =	sld [smem:$0x3FAF]  }
0x28: {  	s2 =	sld [smem:$0x3FB0]  }
0x29: {  	s4 =	sld [smem:$0x3FB2]  }
0x2a: {  	p0 =	seq.s32 s5, $0x0;
	s5 =	sld [smem:$0x3FB3]  }
0x2b: {  	s6 =	sld [smem:$0x3FB4]  }
0x2c: {  	s7 =	sld [smem:$0x3FB5]  }
0x2d: {  	s3 =	simm.s32 $0x108;
	s8 =	sld [smem:$0x3FB6]  }
0x2e: {  	s3 =	simm.s32 @!p0 $0x1082;
	s9 =	sld [smem:$0x3FB7]  }
0x2f: {  	lr =	sadd.s32 s0, s3;
	s0 =	sld [smem:$0x3FAE]  }
0x30: {  	s3 =	sld [smem:$0x3FB1]  }
0x31: {  	[smem:$0x3FBA] =	sst s10  }
0x32: {  	s10 =	sld [smem:$0x3FB8];
	_ =	sdelay $0x3  }
0x33: {  	p0 =	seq.s32 s10, $0x1;
	s10 =	sld [smem:$0x3FBA];
	_ =	sdelay $0x3  }
0x34: {  	[smem:$0x3FBA] =	sst s10  }
0x35: {  	s10 =	sld [smem:$0x3FB9];
	_ =	sdelay $0x3  }
0x36: {  	p1 =	seq.s32 s10, $0x1;
	s10 =	sld [smem:$0x3FBA];
	_ =	sdelay $0x3  }
0x37: {  	[smem:$0x3FBA] =	sst s10  }
0x38: {  	s10 =	sld [smem:$0x3FBB]  }
0x39: {  	_ = 	snop;
	(pc) =	sbr.ind lr, $3  }
0x3a: {  	_ = 	snop  }
0x3b: {  	_ = 	snop  }
0x3c: {  	p2 =	seq.s32 s10, $0x1;
	s10 =	sld [smem:$0x3FBA]  }
0x3d: {  	_ =	shalt  }
0x3e: {  	_ =	shalt  }
0x3f: {  	_ =	shalt  }
0x40: {  	_ =	shalt  }
0x41: {  	_ =	shalt  }
0x42: {  	_ =	shalt  }
0x43: {  	_ =	shalt  }
0x44: {  	_ =	shalt  }
0x45: {  	_ =	shalt  }
0x46: {  	_ =	shalt  }
0x47: {  	_ =	shalt  }
0x48: {  	_ =	shalt  }
0x49: {  	_ =	shalt  }
0x4a: {  	_ =	shalt  }
0x4b: {  	_ =	shalt  }
0x4c: {  	_ =	shalt  }
0x4d: {  	_ =	shalt  }
0x4e: {  	_ =	shalt  }
0x4f: {  	_ =	shalt  }
0x50: {  	_ =	shalt  }
0x51: {  	_ =	shalt  }
0x52: {  	_ =	shalt  }
0x53: {  	_ =	shalt  }
0x54: {  	_ =	shalt  }
0x55: {  	_ =	shalt  }
0x56: {  	_ =	shalt  }
0x57: {  	_ =	shalt  }
0x58: {  	_ =	shalt  }
0x59: {  	_ =	shalt  }
0x5a: {  	_ =	shalt  }
0x5b: {  	_ =	shalt  }
0x5c: {  	_ =	shalt  }
0x5d: {  	_ =	shalt  }
0x5e: {  	_ =	shalt  }
0x5f: {  	_ =	shalt  }
0x60: {  	_ =	shalt  }
0x61: {  	_ =	shalt  }
0x62: {  	_ =	shalt  }
0x63: {  	_ =	shalt  }
0x64: {  	_ =	shalt  }
0x65: {  	_ =	shalt  }
0x66: {  	_ =	shalt  }
0x67: {  	_ =	shalt  }
0x68: {  	_ =	shalt  }
0x69: {  	_ =	shalt  }
0x6a: {  	_ =	shalt  }
0x6b: {  	_ =	shalt  }
0x6c: {  	_ =	shalt  }
0x6d: {  	_ =	shalt  }
0x6e: {  	_ =	shalt  }
0x6f: {  	_ =	shalt  }
0x70: {  	_ =	shalt  }
0x71: {  	_ =	shalt  }
0x72: {  	_ =	shalt  }
0x73: {  	_ =	shalt  }
0x74: {  	_ =	shalt  }
0x75: {  	_ =	shalt  }
0x76: {  	_ =	shalt  }
0x77: {  	_ =	shalt  }
0x78: {  	_ =	shalt  }
0x79: {  	_ =	shalt  }
0x7a: {  	_ =	shalt  }
0x7b: {  	_ =	shalt  }
0x7c: {  	_ =	shalt  }
0x7d: {  	_ =	shalt  }
0x7e: {  	_ =	shalt  }
0x7f: {  	_ =	shalt  }
0x80: {  	_ =	shalt  }
0x81: {  	_ =	shalt  }
0x82: {  	_ =	shalt  }
0x83: {  	_ =	shalt  }
0x84: {  	_ =	shalt  }
0x85: {  	_ =	shalt  }
0x86: {  	_ =	shalt  }
0x87: {  	_ =	shalt  }
.Lfunc_end0:
.L_simem_size_0:
called_computation_lowered:
.L_overlay_start_0:
0x88: {  	s2 =	sld [smem:$0x3FD9]  }
0x89: {  	s3 =	sld [smem:$0x3FFE];
	_ =	sdelay $0x1  }
0x8a: {  	s1 =	srdreg.scid  }
0x8b: {  	s0 =	sand.u32 $0x1, s1  }
0x8c: {  	s17 =	sshll.u32 s0, $0xA;
	s2 =	sadd.s32 s3, s2  }
0x8d: {  	s2 =	sadd.s32 s2, s17  }
0x8e: {  	[smem:$0x3FC6] =	sst s2  }
0x8f: {  	_ = 	snop  }
0x90: {  	s2 =	sld [smem:$0x3FC8]  }
0x91: {  	s18 =	sld [smem:$0x3FD0];
	(tm) =	ssettm $0x1  }
0x92: {  	s4 =	sld [smem:$0x3FFB];
	_ =	sdelay $0x3  }
0x93: {  	_ =	strace s4  }
0x94: {  	s4 =	sld [smem:$0x3FFC];
	_ =	sdelay $0x3  }
0x95: {  	_ =	strace s4  }
0x96: {  	s4 =	sld [smem:$0x3FFD];
	_ =	sdelay $0x3  }
0x97: {  	_ =	strace s4  }
0x98: {  	_ =	strace $0x8FFFFFFF  }
0x99: {  	s19 =	sld [smem:$0x3FDB];
	_ =	sdelay $0x1  }
0x9a: {  	s5 =	simm.s32 $_scs_section_size  }
0x9b: {  	s6 =	simm.s32 $_size__tile_overlayer_lowered;
	s7 =	simm.s32 $_tile_overlayer_lowered  }
0x9c: {  	s22 =	simm.s32 $0x1BFF;
	s21 =	sshll.u32 s7, $0x1;
	s4 =	sadd.s32 s5, s19  }
0x9d: {  	s8 =	simm.s32 $0x0;
	s20 =	sshll.u32 s6, $0x1;
	s6 =	sadd.s32 s21, s4  }
0x9e: {  	[timem:s8], [sflag:s22] =	dma.local [hbm:s6], s20  }
0x9f: {  	_ =	swait.ge [sflag:s22], s20  }
0xa0: {  	s5 =	ssub.s32 $0x0, s20;
	[sflag:s22] =	ssyncset.done $0x0  }
0xa1: {  	[sflag:s22] =	ssyncadd.s32 s5;
	_ =	sdelay $0x1  }
0xa2: {  	s23 =	simm.s32 $0x1B8B  }
0xa3: {  	_ =	swait.ge [sflag:s23], $0x1  }
0xa4: {  	[sflag:s23] =	ssyncset.done $0x0  }
0xa5: {  	s25 =	simm.s32 $0x1B8E;
	s24 =	sld [smem:$0x3FFE];
	[sflag:s23] =	ssyncadd.s32 $0xFFFFFFFF  }
0xa6: {  	s26 =	simm.s32 $execute0_lowered;
	[smem:$0x3FD2] =	sst s25  }
0xa7: {  	s6 =	sshll.u32 s26, $0x1;
	_ =	strace $0x80000046;
	[dreg:$0x1] =	wrdreg $0xFFFFFFFF  }
0xa8: {  	s28 =	simm.s32 $_size_execute0_lowered;
	s4 =	sadd.s32 s4, s6;
	[dreg:$0x0] =	wrdreg $0x0  }
0xa9: {  	s6 =	sshll.u32 s28, $0x1;
	[dreg:$0x2] =	wrdreg s4  }
0xaa: {  	[dreg:$0x3] =	wrdreg s6  }
0xab: {  	[dreg:$0x4] =	wrdreg $0xC0  }
0xac: {  	_ =	task [dreg:s8], $0x5FFFF  }
0xad: {  	[dreg:$0x1] =	wrdreg $0xFFFFFFFF  }
0xae: {  	[dreg:$0x0] =	wrdreg $0x60  }
0xaf: {  	[dreg:$0x2] =	wrdreg s24  }
0xb0: {  	[dreg:$0x3] =	wrdreg s2  }
0xb1: {  	[dreg:$0x4] =	wrdreg s18  }
0xb2: {  	[dreg:$0x5] =	wrdreg $0x20000  }
0xb3: {  	[dreg:$0x6] =	wrdreg $0x9  }
0xb4: {  	_ =	task.clear_ibuf [dreg:s8], $0x7FFFF;
	_ =	strace $0x90000046  }
0xb5: {  	s29 =	simm.s32 $0x9;
	_ =	strace $0x80000048  }
0xb6: {  	_ =	swait.ge [sflag:s29], $0x1  }
0xb7: {  	[sflag:s29] =	ssyncadd.s32 $0xFFFFFFFF  }
0xb8: {  	_ =	strace $0x90000048  }
0xb9: {  	_ =	sfence  }
0xba: {  	s30 =	sld [smem:$0x0];
	_ =	sdelay $0x2  }
0xbb: {  	s31 =	sshll.u32 s1, $0xD;
	s1 =	sshrl.u32 s1, $0x2  }
0xbc: {  	s3 =	sand.u32 $0x4000, s31;
	s1 =	sadd.s32 s1, s30  }
0xbd: {  	s0 =	sor.u32 s3, s0;
	s1 =	sshll.u32 s1, $0x11  }
0xbe: {  	s0 =	sor.u32 s1, s0  }
0xbf: {  	s0 =	sadd.s32 $0x8F2B, s0  }
0xc0: {  	[sflag:s0] =	ssyncadd.remote.s32 $0x1  }
0xc1: {  	_ =	sfence.sel $0xFFFF  }
0xc2: {  	[dreg:$0x0] =	wrdreg $0xFFFFFFFF;
	(pc) =	sbr.abs _section_cstart, $3  }
0xc3: {  	[dreg:$0x1] =	wrdreg $0xFFFFFFFF  }
0xc4: {  	_ =	task.clear_ibuf [dreg:s8], $0x2FFFF;
	_ =	strace $0x9FFFFFFF  }
0xc5: {  	(tm) =	ssettm $0x7FFFFFFF  }
tec
execute0_lowered:
.L_overlay_start_1:
0x0: {  	(tag) =	ssettag $0x1  }
0x1: {  	s1 =	rddreg [dreg:$0x0]  }
0x2: {  	s0 =	rddreg [dreg:$0x1]  }
0x3: {  	s4 =	rddreg [dreg:$0x2]  }
0x4: {  	s3 =	srdreg.scid;
	s5 =	stileid.u32  }
0x5: {  	s2 =	rddreg [dreg:$0x3];
	s10 =	simm.s32 $0x2640;
	s11 =	simm.s32 $0x8A40  }
0x6: {  	s12 =	simm.s32 $0xEE40;
	s14 =	simm.s32 $0x64;
	s21 =	simm.s32 $0x15240  }
0x7: {  	s25 =	simm.s32 $0x12040;
	s26 =	simm.s32 $0x18440;
	s28 =	simm.s32 $0x5  }
0x8: {  	s29 =	simm.s32 $0x6;
	s30 =	simm.s32 $0x7;
	s31 =	simm.s32 $0x8  }
0x9: {  	s6 =	sand.u32 $0x1, s3;
	s7 =	sshll.u32 s5, $0x1;
	s3 =	simm.s32 $0x0  }
0xa: {  	s23 =	smul.u32 $0x32000, s5;
	p0 =	sne.s32 s5, $0x0;
	s7 =	sor.u32 s6, s7  }
0xb: {  	[smem:$0x7FF] =	sst s3;
	s9 =	ssub.s32 $0x2, s6;
	s6 =	smul.u32 $0x19000, s6  }
0xc: {  	s8 =	sshll.u32 s7, $0xA;
	_ =	strace $0x80000047;
	[dreg:$0x5] =	wrdreg s25  }
0xd: {  	s22 =	sshrl.u32 s9, $0x1;
	s7 =	smul.u32 $0x19000, s7;
	[dreg:$0x6] =	wrdreg s26  }
0xe: {  	s25 =	simm.s32 $0x2;
	s8 =	sadd.s32 s8, s1;
	s1 =	sadd.s32 $0x8400, s1  }
0xf: {  	s26 =	simm.s32 $0x4;
	[dreg:$0x8] =	wrdreg s1;
	s1 =	ssub.s32 s9, s22  }
0x10: {  	s8 =	sadd.s32 $0x400, s8;
	s24 =	sadd.s32 s4, s7;
	s4 =	sadd.s32 s23, s4  }
0x11: {  	s22 =	simm.s32 $0xB;
	[dreg:$0x9] =	wrdreg s8;
	s1 =	smax.u32 s1, $0x1  }
0x12: {  	s23 =	simm.s32 $0x1;
	[dreg:$0xa] =	wrdreg s1;
	s1 =	sadd.s32 $0x17700, s24  }
0x13: {  	s7 =	sadd.s32 s6, s4;
	[dreg:$0x7] =	wrdreg s1;
	s1 =	sshrl.u32 @!p0 s2, $0x3  }
0x14: {  	s24 =	simm.s32 $0xC;
	[dreg:$0xb] =	wrdreg s1;
	s1 =	simm.s32 $0x0  }
.LBB2_1:
0x15: {  	s5 =	rddreg [dreg:$0x8]  }
0x16: {  	s4 =	simm.s32 @!p0 $0x1C0D;
	s6 =	rddreg [dreg:$0xb]  }
0x17: {  	[spmem:s6], [sflag:s4] =	dma.local @!p0 [hbm:s5], $0xC80  }
0x18: {  	s4 =	simm.s32 @!p0 $0xD  }
0x19: {  	_ =	swait.ge @!p0 [sflag:s4], $0xC80  }
0x1a: {  	[sflag:s4] =	ssyncset.done @!p0 $0x0  }
0x1b: {  	[sflag:s4] =	ssyncadd.s32 @!p0 $0xFFFFF380  }
0x1c: {  	[bflag:$0x0] =	sbarrier.arrive $0xFFFF  }
0x1d: {  	s17 =	simm.s32 $0xD;
	s16 =	rddreg [dreg:$0x9]  }
0x1e: {  	[tilespmem:s3], [sflag:$0xD] =	stream.linear.gather [hbm4b:s16+s3], $0x2000, $0x38;
	[tilespmem:$0x1B640] =	vst v63  }
0x1f: {  	_ =	swait.ge [sflag:s17], $0x2000  }
0x20: {  	[sflag:s17] =	ssyncset.done $0x0  }
0x21: {  	[sflag:s17] =	ssyncadd.s32 $0xFFFFE000  }
0x22: {  	[tilespmem:s10], [sflag:$0x9] =	stream.linear.gather [spmem:s2], $0x6400, $0x38;
	[tilespmem:$0x1B640] =	vst v63  }
0x23: {  	_ = 	snop  }
0x24: {  	[tilespmem:s11], [sflag:$0xA] =	stream.linear.gather [spmem:s2], $0x6400, $0x38;
	[tilespmem:$0x1B640] =	vst v63  }
0x25: {  	s18 =	simm.s32 $0x9  }
0x26: {  	[tilespmem:s12], [sflag:$0xB] =	stream.linear.gather [spmem:s2], $0x6400, $0x38;
	[tilespmem:$0x1B640] =	vst v63  }
0x27: {  	_ =	swait.ge [sflag:s18], $0x6400  }
0x28: {  	[sflag:s18] =	ssyncset.done $0x0  }
0x29: {  	[sflag:s18] =	ssyncadd.s32 $0xFFFF9C00  }
0x2a: {  	[tilespmem:s10], [sflag:$0x1] =	stream.indirect.gather.add.f32 [hbm:s0], $0x80, s3, s14, $0xb8;
	[tilespmem:$0x1B640] =	vst v63  }
0x2b: {  	s19 =	simm.s32 $0x80;
	s20 =	simm.s32 $0x5840;
	s5 =	simm.s32 $0xA  }
0x2c: {  	[tilespmem:s20], [sflag:$0x1] =	stream.indirect.gather.add.f32 [hbm:s0], $0x80, s19, s14, $0xb8;
	[tilespmem:$0x1B640] =	vst v63  }
0x2d: {  	_ =	swait.ge [sflag:s5], $0x6400  }
0x2e: {  	p1 =	por $0x1, $0x1;
	[sflag:s5] =	ssyncset.done $0x0  }
0x2f: {  	s6 =	simm.s32 $0x100;
	p1 =	por p1, p1;
	[sflag:s5] =	ssyncadd.s32 $0xFFFF9C00  }
0x30: {  	[tilespmem:s11], [sflag:$0x2] =	stream.indirect.gather.add.f32 [hbm:s0], $0x80, s6, s14, $0xb8;
	[tilespmem:$0x1B640] =	vst v63  }
0x31: {  	s8 =	simm.s32 $0x180;
	s9 =	simm.s32 $0xBC40;
	s4 =	simm.s32 @!p1 $0x8  }
0x32: {  	[tilespmem:s9], [sflag:$0x2] =	stream.indirect.gather.add.f32 [hbm:s0], $0x80, s8, s14, $0xb8;
	[tilespmem:$0x1B640] =	vst v63  }
0x33: {  	_ =	swait.ge @!p1 [sflag:s4], $0x6400  }
0x34: {  	[sflag:s4] =	ssyncset.done @!p1 $0x0  }
0x35: {  	[sflag:s4] =	ssyncadd.s32 @!p1 $0xFFFF9C00  }
0x36: {  	[tilespmem:s21], [sflag:$0xC] =	stream.linear.gather [spmem:s2], $0x6400, $0x38;
	[tilespmem:$0x1B640] =	vst v63  }
0x37: {  	_ =	swait.ge [sflag:s22], $0x6400  }
0x38: {  	[sflag:s22] =	ssyncset.done $0x0  }
0x39: {  	s13 =	simm.s32 $0x200;
	[sflag:s22] =	ssyncadd.s32 $0xFFFF9C00  }
0x3a: {  	[tilespmem:s12], [sflag:$0x3] =	stream.indirect.gather.add.f32 [hbm:s0], $0x80, s13, s14, $0xb8;
	[tilespmem:$0x1B640] =	vst v63  }
0x3b: {  	s16 =	simm.s32 $0x280;
	s15 =	rddreg [dreg:$0x5]  }
0x3c: {  	[tilespmem:s15], [sflag:$0x3] =	stream.indirect.gather.add.f32 [hbm:s0], $0x80, s16, s14, $0xb8;
	[tilespmem:$0x1B640] =	vst v63  }
0x3d: {  	_ =	swait.ge [sflag:s23], $0x6400  }
0x3e: {  	p1 =	por $0x0, $0x0;
	[sflag:s23] =	ssyncset.done $0x0  }
0x3f: {  	s4 =	simm.s32 @!p1 $0x5;
	[sflag:s23] =	ssyncadd.s32 $0xFFFF9C00  }
0x40: {  	[hbm4b:s7+s3] =	stream.linear.scatter [tilespmem:s10], [sflag:$0x5], $0x6400, $0x38;
	[tilespmem:$0x1B640] =	vst v63  }
0x41: {  	_ =	swait.ge @!p1 [sflag:s4], $0x6400  }
0x42: {  	[sflag:s4] =	ssyncset.done @!p1 $0x0  }
0x43: {  	s5 =	simm.s32 @!p1 $0x2640;
	[sflag:s4] =	ssyncadd.s32 @!p1 $0xFFFF9C00  }
0x44: {  	[tilespmem:s5], [sflag:$0x9] =	stream.linear.gather @!p1 [spmem:s2], $0x6400, $0x38;
	[tilespmem:$0x1B640] =	vst v63  }
0x45: {  	_ =	swait.ge [sflag:s24], $0x6400  }
0x46: {  	[sflag:s24] =	ssyncset.done $0x0  }
0x47: {  	s17 =	simm.s32 $0x300;
	[sflag:s24] =	ssyncadd.s32 $0xFFFF9C00  }
0x48: {  	[tilespmem:s21], [sflag:$0x4] =	stream.indirect.gather.add.f32 [hbm:s0], $0x80, s17, s14, $0xb8;
	[tilespmem:$0x1B640] =	vst v63  }
0x49: {  	s19 =	simm.s32 $0x380;
	s18 =	rddreg [dreg:$0x6]  }
0x4a: {  	[tilespmem:s18], [sflag:$0x4] =	stream.indirect.gather.add.f32 [hbm:s0], $0x80, s19, s14, $0xb8;
	[tilespmem:$0x1B640] =	vst v63  }
0x4b: {  	_ =	swait.ge [sflag:s25], $0x6400  }
0x4c: {  	[sflag:s25] =	ssyncset.done $0x0  }
0x4d: {  	s20 =	sadd.s32 $0xC80, s7;
	s6 =	simm.s32 @p1 $0x3;
	[sflag:s25] =	ssyncadd.s32 $0xFFFF9C00  }
0x4e: {  	[hbm4b:s20+s3] =	stream.linear.scatter [tilespmem:s11], [sflag:$0x6], $0x6400, $0x38;
	[tilespmem:$0x1B640] =	vst v63  }
0x4f: {  	_ =	swait.ge @p1 [sflag:s6], $0x6400  }
0x50: {  	s15 =	simm.s32 @p1 $0xEE40;
	s16 =	simm.s32 @!p1 $0x6;
	[sflag:s6] =	ssyncset.done @p1 $0x0  }
0x51: {  	s4 =	rddreg [dreg:$0x7];
	[sflag:s6] =	ssyncadd.s32 @p1 $0xFFFF9C00;
	s6 =	simm.s32 @p1 $0x0  }
0x52: {  	[hbm4b:s4+s6] =	stream.linear.scatter @p1 [tilespmem:s15], [sflag:$0x7], $0x6400, $0x38;
	[tilespmem:$0x1B640] =	vst v63  }
0x53: {  	_ =	swait.ge @!p1 [sflag:s16], $0x6400  }
0x54: {  	[sflag:s16] =	ssyncset.done @!p1 $0x0  }
0x55: {  	s4 =	simm.s32 @!p1 $0x8A40;
	s6 =	simm.s32 @!p1 $0x9;
	[sflag:s16] =	ssyncadd.s32 @!p1 $0xFFFF9C00  }
0x56: {  	[tilespmem:s4], [sflag:$0xA] =	stream.linear.gather @!p1 [spmem:s2], $0x6400, $0x38;
	[tilespmem:$0x1B640] =	vst v63  }
0x57: {  	_ =	swait.ge @!p1 [sflag:s6], $0x6400  }
0x58: {  	[sflag:s6] =	ssyncset.done @!p1 $0x0  }
0x59: {  	s18 =	simm.s32 @!p1 $0x64;
	s15 =	simm.s32 @!p1 $0x400;
	[sflag:s6] =	ssyncadd.s32 @!p1 $0xFFFF9C00  }
0x5a: {  	[tilespmem:s5], [sflag:$0x1] =	stream.indirect.gather.add.f32 @!p1 [hbm:s0], $0x80, s15, s18, $0xb8;
	[tilespmem:$0x1B640] =	vst v63  }
0x5b: {  	s6 =	simm.s32 @!p1 $0x5840;
	s5 =	simm.s32 @!p1 $0x480;
	s15 =	simm.s32 @!p1 $0x3  }
0x5c: {  	[tilespmem:s6], [sflag:$0x1] =	stream.indirect.gather.add.f32 @!p1 [hbm:s0], $0x80, s5, s18, $0xb8;
	[tilespmem:$0x1B640] =	vst v63  }
0x5d: {  	_ =	swait.ge @!p1 [sflag:s15], $0x6400  }
0x5e: {  	s5 =	simm.s32 @!p1 $0xEE40;
	[sflag:s15] =	ssyncset.done @!p1 $0x0  }
0x5f: {  	s6 =	sadd.s32 @!p1 $0x1900, s7;
	[sflag:s15] =	ssyncadd.s32 @!p1 $0xFFFF9C00;
	s15 =	simm.s32 @!p1 $0x0  }
0x60: {  	[hbm4b:s6+s15] =	stream.linear.scatter @!p1 [tilespmem:s5], [sflag:$0x7], $0x6400, $0x38;
	[tilespmem:$0x1B640] =	vst v63  }
0x61: {  	s6 =	simm.s32 @!p1 $0x7  }
0x62: {  	_ =	swait.ge @!p1 [sflag:s6], $0x6400  }
0x63: {  	[sflag:s6] =	ssyncset.done @!p1 $0x0  }
0x64: {  	[sflag:s6] =	ssyncadd.s32 @!p1 $0xFFFF9C00;
	s6 =	simm.s32 @!p1 $0xA  }
0x65: {  	[tilespmem:s5], [sflag:$0xB] =	stream.linear.gather @!p1 [spmem:s2], $0x6400, $0x38;
	[tilespmem:$0x1B640] =	vst v63  }
0x66: {  	_ =	swait.ge @!p1 [sflag:s6], $0x6400  }
0x67: {  	[sflag:s6] =	ssyncset.done @!p1 $0x0  }
0x68: {  	p2 =	por $0x0, $0x0;
	s5 =	simm.s32 @!p1 $0x500;
	[sflag:s6] =	ssyncadd.s32 @!p1 $0xFFFF9C00  }
0x69: {  	[tilespmem:s4], [sflag:$0x2] =	stream.indirect.gather.add.f32 @!p1 [hbm:s0], $0x80, s5, s18, $0xb8;
	[tilespmem:$0x1B640] =	vst v63  }
0x6a: {  	s16 =	simm.s32 $0x1000;
	s4 =	simm.s32 @!p1 $0x580;
	s5 =	simm.s32 @!p1 $0xBC40  }
0x6b: {  	[tilespmem:s5], [sflag:$0x2] =	stream.indirect.gather.add.f32 @!p1 [hbm:s0], $0x80, s4, s18, $0xb8;
	[tilespmem:$0x1B640] =	vst v63  }
0x6c: {  	s15 =	sadd.s32 $0x3200, s7;
	s18 =	simm.s32 $0x2000;
	_ =	swait.ge [sflag:s26], $0x6400  }
0x6d: {  	p1 =	por p2, p2;
	s4 =	sadd.s32 $0x2580, s7;
	[sflag:s26] =	ssyncset.done $0x0  }
.LBB2_2:
0x6e: {  	s5 =	simm.s32 @!p1 $0x8;
	[sflag:s26] =	ssyncadd.s32 $0xFFFF9C00  }
0x6f: {  	[hbm4b:s4+s3] =	stream.linear.scatter [tilespmem:s21], [sflag:$0x8], $0x6400, $0x38;
	[tilespmem:$0x1B640] =	vst v63  }
0x70: {  	_ =	swait.ge @!p1 [sflag:s5], $0x6400  }
0x71: {  	[sflag:s5] =	ssyncset.done @!p1 $0x0  }
0x72: {  	[sflag:s5] =	ssyncadd.s32 @!p1 $0xFFFF9C00  }
0x73: {  	[tilespmem:s21], [sflag:$0xC] =	stream.linear.gather [spmem:s2], $0x6400, $0x38;
	[tilespmem:$0x1B640] =	vst v63  }
0x74: {  	_ =	swait.ge [sflag:s22], $0x6400  }
0x75: {  	s8 =	sshra.s32 s16, $0x2;
	[sflag:s22] =	ssyncset.done $0x0  }
0x76: {  	s9 =	sadd.s32 $0x200, s8;
	[sflag:s22] =	ssyncadd.s32 $0xFFFF9C00  }
0x77: {  	[tilespmem:s12], [sflag:$0x3] =	stream.indirect.gather.add.f32 [hbm:s0], $0x80, s9, s14, $0xb8;
	[tilespmem:$0x1B640] =	vst v63  }
0x78: {  	s13 =	sadd.s32 $0x280, s8;
	s6 =	rddreg [dreg:$0x5]  }
0x79: {  	[tilespmem:s6], [sflag:$0x3] =	stream.indirect.gather.add.f32 [hbm:s0], $0x80, s13, s14, $0xb8;
	[tilespmem:$0x1B640] =	vst v63  }
0x7a: {  	p3 =	seq.s32 s18, $0x0;
	_ =	swait.ge [sflag:s23], $0x6400  }
0x7b: {  	p1 =	por p3, p3;
	p3 =	seq.s32 s16, $0x7000;
	[sflag:s23] =	ssyncset.done $0x0  }
0x7c: {  	s20 =	simm.s32 @!p3 $0x5;
	[sflag:s23] =	ssyncadd.s32 $0xFFFF9C00  }
0x7d: {  	[hbm4b:s15+s3] =	stream.linear.scatter [tilespmem:s10], [sflag:$0x5], $0x6400, $0x38;
	[tilespmem:$0x1B640] =	vst v63  }
0x7e: {  	_ =	swait.ge @!p3 [sflag:s20], $0x6400  }
0x7f: {  	[sflag:s20] =	ssyncset.done @!p3 $0x0  }
0x80: {  	s6 =	simm.s32 @!p3 $0x2640;
	[sflag:s20] =	ssyncadd.s32 @!p3 $0xFFFF9C00  }
0x81: {  	[tilespmem:s6], [sflag:$0x9] =	stream.linear.gather @!p3 [spmem:s2], $0x6400, $0x38;
	[tilespmem:$0x1B640] =	vst v63  }
0x82: {  	_ =	swait.ge [sflag:s24], $0x6400  }
0x83: {  	s19 =	smov.u32 s18;
	[sflag:s24] =	ssyncset.done $0x0  }
0x84: {  	s17 =	sadd.s32 $0x300, s8;
	s8 =	sadd.s32 $0x380, s8;
	[sflag:s24] =	ssyncadd.s32 $0xFFFF9C00  }
0x85: {  	[tilespmem:s21], [sflag:$0x4] =	stream.indirect.gather.add.f32 [hbm:s0], $0x80, s17, s14, $0xb8;
	[tilespmem:$0x1B640] =	vst v63  }
0x86: {  	s9 =	sshra.s32 @!p3 s16, $0x2;
	s16 =	smov.u32 s19;
	s13 =	rddreg [dreg:$0x6]  }
0x87: {  	[tilespmem:s13], [sflag:$0x4] =	stream.indirect.gather.add.f32 [hbm:s0], $0x80, s8, s14, $0xb8;
	[tilespmem:$0x1B640] =	vst v63  }
0x88: {  	s5 =	sadd.s32 @!p3 $0x400, s9;
	s4 =	sadd.s32 @!p3 $0x480, s9;
	_ =	swait.ge [sflag:s25], $0x6400  }
0x89: {  	s19 =	sadd.s32 @!p3 $0x500, s9;
	s20 =	sadd.s32 @!p3 $0x580, s9;
	[sflag:s25] =	ssyncset.done $0x0  }
0x8a: {  	s9 =	simm.s32 @p3 $0x3;
	s17 =	sadd.s32 $0xC80, s15;
	[sflag:s25] =	ssyncadd.s32 $0xFFFF9C00  }
0x8b: {  	[hbm4b:s17+s3] =	stream.linear.scatter [tilespmem:s11], [sflag:$0x6], $0x6400, $0x38;
	[tilespmem:$0x1B640] =	vst v63  }
0x8c: {  	_ =	swait.ge @p3 [sflag:s9], $0x6400  }
0x8d: {  	s13 =	simm.s32 @p3 $0xEE40;
	s17 =	simm.s32 @!p3 $0x6;
	[sflag:s9] =	ssyncset.done @p3 $0x0  }
0x8e: {  	s8 =	rddreg [dreg:$0x7];
	[sflag:s9] =	ssyncadd.s32 @p3 $0xFFFF9C00;
	s9 =	simm.s32 @p3 $0x0  }
0x8f: {  	[hbm4b:s8+s9] =	stream.linear.scatter @p3 [tilespmem:s13], [sflag:$0x7], $0x6400, $0x38;
	[tilespmem:$0x1B640] =	vst v63  }
0x90: {  	_ =	swait.ge @!p3 [sflag:s17], $0x6400  }
0x91: {  	[sflag:s17] =	ssyncset.done @!p3 $0x0  }
0x92: {  	s8 =	simm.s32 @!p3 $0x8A40;
	s9 =	simm.s32 @!p3 $0x9;
	[sflag:s17] =	ssyncadd.s32 @!p3 $0xFFFF9C00  }
0x93: {  	[tilespmem:s8], [sflag:$0xA] =	stream.linear.gather @!p3 [spmem:s2], $0x6400, $0x38;
	[tilespmem:$0x1B640] =	vst v63  }
0x94: {  	_ =	swait.ge @!p3 [sflag:s9], $0x6400  }
0x95: {  	[sflag:s9] =	ssyncset.done @!p3 $0x0  }
0x96: {  	s13 =	simm.s32 @!p3 $0x64;
	[sflag:s9] =	ssyncadd.s32 @!p3 $0xFFFF9C00  }
0x97: {  	[tilespmem:s6], [sflag:$0x1] =	stream.indirect.gather.add.f32 @!p3 [hbm:s0], $0x80, s5, s13, $0xb8;
	[tilespmem:$0x1B640] =	vst v63  }
0x98: {  	s9 =	simm.s32 @!p3 $0x5840;
	s5 =	simm.s32 @!p3 $0x3  }
0x99: {  	[tilespmem:s9], [sflag:$0x1] =	stream.indirect.gather.add.f32 @!p3 [hbm:s0], $0x80, s4, s13, $0xb8;
	[tilespmem:$0x1B640] =	vst v63  }
0x9a: {  	_ =	swait.ge @!p3 [sflag:s5], $0x6400  }
0x9b: {  	s6 =	sadd.s32 @!p3 $0x1900, s15;
	s4 =	simm.s32 @!p3 $0xEE40;
	[sflag:s5] =	ssyncset.done @!p3 $0x0  }
0x9c: {  	s9 =	simm.s32 @!p3 $0x0;
	[sflag:s5] =	ssyncadd.s32 @!p3 $0xFFFF9C00;
	s5 =	simm.s32 @!p3 $0x7  }
0x9d: {  	[hbm4b:s6+s9] =	stream.linear.scatter @!p3 [tilespmem:s4], [sflag:$0x7], $0x6400, $0x38;
	[tilespmem:$0x1B640] =	vst v63  }
0x9e: {  	_ =	swait.ge @!p3 [sflag:s5], $0x6400  }
0x9f: {  	[sflag:s5] =	ssyncset.done @!p3 $0x0  }
0xa0: {  	[sflag:s5] =	ssyncadd.s32 @!p3 $0xFFFF9C00;
	s5 =	simm.s32 @!p3 $0xA  }
0xa1: {  	[tilespmem:s4], [sflag:$0xB] =	stream.linear.gather @!p3 [spmem:s2], $0x6400, $0x38;
	[tilespmem:$0x1B640] =	vst v63  }
0xa2: {  	_ =	swait.ge @!p3 [sflag:s5], $0x6400  }
0xa3: {  	s18 =	sadd.s32 $0x1000, s18;
	[sflag:s5] =	ssyncset.done @!p3 $0x0  }
0xa4: {  	p2 =	sne.s32 s18, $0x8000;
	[sflag:s5] =	ssyncadd.s32 @!p3 $0xFFFF9C00  }
0xa5: {  	[tilespmem:s8], [sflag:$0x2] =	stream.indirect.gather.add.f32 @!p3 [hbm:s0], $0x80, s19, s13, $0xb8;
	[tilespmem:$0x1B640] =	vst v63  }
.Ltmp0:
0xa6: {  	_ = 	snop;
	(pc) =	sbr.rel @p2 .LBB2_2-.Ltmp0, $4  }
0xa7: {  	s4 =	simm.s32 @!p3 $0xBC40  }
0xa8: {  	[tilespmem:s4], [sflag:$0x2] =	stream.indirect.gather.add.f32 @!p3 [hbm:s0], $0x80, s20, s13, $0xb8;
	[tilespmem:$0x1B640] =	vst v63  }
0xa9: {  	_ =	swait.ge [sflag:s26], $0x6400  }
0xaa: {  	s4 =	sadd.s32 $0x2580, s15;
	s15 =	sadd.s32 $0x3200, s15;
	[sflag:s26] =	ssyncset.done $0x0  }
0xab: {  	s5 =	simm.s32 @!p1 $0x8;
	[sflag:s26] =	ssyncadd.s32 $0xFFFF9C00  }
0xac: {  	[hbm4b:s4+s3] =	stream.linear.scatter [tilespmem:s21], [sflag:$0x8], $0x6400, $0x38;
	[tilespmem:$0x1B640] =	vst v63  }
0xad: {  	_ =	swait.ge @!p1 [sflag:s5], $0x6400  }
0xae: {  	[sflag:s5] =	ssyncset.done @!p1 $0x0  }
0xaf: {  	[sflag:s5] =	ssyncadd.s32 @!p1 $0xFFFF9C00  }
0xb0: {  	[tilespmem:s21], [sflag:$0xC] =	stream.linear.gather [spmem:s2], $0x6400, $0x38;
	[tilespmem:$0x1B640] =	vst v63  }
0xb1: {  	_ =	swait.ge [sflag:s22], $0x6400  }
0xb2: {  	s20 =	sshra.s32 s16, $0x2;
	[sflag:s22] =	ssyncset.done $0x0  }
0xb3: {  	s9 =	sadd.s32 $0x200, s20;
	[sflag:s22] =	ssyncadd.s32 $0xFFFF9C00  }
0xb4: {  	[tilespmem:s12], [sflag:$0x3] =	stream.indirect.gather.add.f32 [hbm:s0], $0x80, s9, s14, $0xb8;
	[tilespmem:$0x1B640] =	vst v63  }
0xb5: {  	s13 =	sadd.s32 $0x280, s20;
	s6 =	rddreg [dreg:$0x5]  }
0xb6: {  	[tilespmem:s6], [sflag:$0x3] =	stream.indirect.gather.add.f32 [hbm:s0], $0x80, s13, s14, $0xb8;
	[tilespmem:$0x1B640] =	vst v63  }
0xb7: {  	_ =	swait.ge [sflag:s23], $0x6400  }
0xb8: {  	p1 =	seq.s32 s16, $0x7000;
	[sflag:s23] =	ssyncset.done $0x0  }
0xb9: {  	s5 =	simm.s32 @!p1 $0x5;
	[sflag:s23] =	ssyncadd.s32 $0xFFFF9C00  }
0xba: {  	[hbm4b:s15+s3] =	stream.linear.scatter [tilespmem:s10], [sflag:$0x5], $0x6400, $0x38;
	[tilespmem:$0x1B640] =	vst v63  }
0xbb: {  	_ =	swait.ge @!p1 [sflag:s5], $0x6400  }
0xbc: {  	[sflag:s5] =	ssyncset.done @!p1 $0x0  }
0xbd: {  	s6 =	simm.s32 @!p1 $0x2640;
	[sflag:s5] =	ssyncadd.s32 @!p1 $0xFFFF9C00  }
0xbe: {  	[tilespmem:s6], [sflag:$0x9] =	stream.linear.gather @!p1 [spmem:s2], $0x6400, $0x38;
	[tilespmem:$0x1B640] =	vst v63  }
0xbf: {  	_ =	swait.ge [sflag:s24], $0x6400  }
0xc0: {  	[sflag:s24] =	ssyncset.done $0x0  }
0xc1: {  	s17 =	sadd.s32 $0x300, s20;
	[sflag:s24] =	ssyncadd.s32 $0xFFFF9C00  }
0xc2: {  	[tilespmem:s21], [sflag:$0x4] =	stream.indirect.gather.add.f32 [hbm:s0], $0x80, s17, s14, $0xb8;
	[tilespmem:$0x1B640] =	vst v63  }
0xc3: {  	s4 =	sadd.s32 $0x380, s20;
	s8 =	rddreg [dreg:$0x6]  }
0xc4: {  	[tilespmem:s8], [sflag:$0x4] =	stream.indirect.gather.add.f32 [hbm:s0], $0x80, s4, s14, $0xb8;
	[tilespmem:$0x1B640] =	vst v63  }
0xc5: {  	_ =	swait.ge [sflag:s25], $0x6400  }
0xc6: {  	[sflag:s25] =	ssyncset.done $0x0  }
0xc7: {  	s18 =	sadd.s32 $0xC80, s15;
	s5 =	simm.s32 @p1 $0x3;
	[sflag:s25] =	ssyncadd.s32 $0xFFFF9C00  }
0xc8: {  	[hbm4b:s18+s3] =	stream.linear.scatter [tilespmem:s11], [sflag:$0x6], $0x6400, $0x38;
	[tilespmem:$0x1B640] =	vst v63  }
0xc9: {  	_ =	swait.ge @p1 [sflag:s5], $0x6400  }
0xca: {  	s9 =	simm.s32 @!p1 $0x6;
	s8 =	simm.s32 @p1 $0xEE40;
	[sflag:s5] =	ssyncset.done @p1 $0x0  }
0xcb: {  	s4 =	rddreg [dreg:$0x7];
	[sflag:s5] =	ssyncadd.s32 @p1 $0xFFFF9C00;
	s5 =	simm.s32 @p1 $0x0  }
0xcc: {  	[hbm4b:s4+s5] =	stream.linear.scatter @p1 [tilespmem:s8], [sflag:$0x7], $0x6400, $0x38;
	[tilespmem:$0x1B640] =	vst v63  }
0xcd: {  	_ =	swait.ge @!p1 [sflag:s9], $0x6400  }
0xce: {  	[sflag:s9] =	ssyncset.done @!p1 $0x0  }
0xcf: {  	s4 =	simm.s32 @!p1 $0x8A40;
	s5 =	simm.s32 @!p1 $0x9;
	[sflag:s9] =	ssyncadd.s32 @!p1 $0xFFFF9C00  }
0xd0: {  	[tilespmem:s4], [sflag:$0xA] =	stream.linear.gather @!p1 [spmem:s2], $0x6400, $0x38;
	[tilespmem:$0x1B640] =	vst v63  }
0xd1: {  	_ =	swait.ge @!p1 [sflag:s5], $0x6400  }
0xd2: {  	s8 =	sshra.s32 @!p1 s16, $0x2;
	[sflag:s5] =	ssyncset.done @!p1 $0x0  }
0xd3: {  	s13 =	simm.s32 @!p1 $0x64;
	s9 =	sadd.s32 @!p1 $0x400, s8;
	[sflag:s5] =	ssyncadd.s32 @!p1 $0xFFFF9C00  }
0xd4: {  	[tilespmem:s6], [sflag:$0x1] =	stream.indirect.gather.add.f32 @!p1 [hbm:s0], $0x80, s9, s13, $0xb8;
	[tilespmem:$0x1B640] =	vst v63  }
0xd5: {  	s5 =	sadd.s32 @!p1 $0x480, s8;
	s6 =	simm.s32 @!p1 $0x5840;
	s9 =	simm.s32 @!p1 $0x3  }
0xd6: {  	[tilespmem:s6], [sflag:$0x1] =	stream.indirect.gather.add.f32 @!p1 [hbm:s0], $0x80, s5, s13, $0xb8;
	[tilespmem:$0x1B640] =	vst v63  }
0xd7: {  	_ =	swait.ge @!p1 [sflag:s9], $0x6400  }
0xd8: {  	s5 =	simm.s32 @!p1 $0xEE40;
	[sflag:s9] =	ssyncset.done @!p1 $0x0  }
0xd9: {  	s6 =	sadd.s32 @!p1 $0x1900, s15;
	[sflag:s9] =	ssyncadd.s32 @!p1 $0xFFFF9C00;
	s9 =	simm.s32 @!p1 $0x0  }
0xda: {  	[hbm4b:s6+s9] =	stream.linear.scatter @!p1 [tilespmem:s5], [sflag:$0x7], $0x6400, $0x38;
	[tilespmem:$0x1B640] =	vst v63  }
0xdb: {  	s6 =	simm.s32 @!p1 $0x7  }
0xdc: {  	_ =	swait.ge @!p1 [sflag:s6], $0x6400  }
0xdd: {  	[sflag:s6] =	ssyncset.done @!p1 $0x0  }
0xde: {  	[sflag:s6] =	ssyncadd.s32 @!p1 $0xFFFF9C00  }
0xdf: {  	[tilespmem:s5], [sflag:$0xB] =	stream.linear.gather @!p1 [spmem:s2], $0x6400, $0x38;
	[tilespmem:$0x1B640] =	vst v63  }
0xe0: {  	s5 =	simm.s32 @!p1 $0xA  }
0xe1: {  	_ =	swait.ge @!p1 [sflag:s5], $0x6400  }
0xe2: {  	[sflag:s5] =	ssyncset.done @!p1 $0x0  }
0xe3: {  	[sflag:s5] =	ssyncadd.s32 @!p1 $0xFFFF9C00;
	s5 =	sadd.s32 @!p1 $0x500, s8  }
0xe4: {  	[tilespmem:s4], [sflag:$0x2] =	stream.indirect.gather.add.f32 @!p1 [hbm:s0], $0x80, s5, s13, $0xb8;
	[tilespmem:$0x1B640] =	vst v63  }
0xe5: {  	s4 =	sadd.s32 @!p1 $0x580, s8;
	s5 =	simm.s32 @!p1 $0xBC40  }
0xe6: {  	[tilespmem:s5], [sflag:$0x2] =	stream.indirect.gather.add.f32 @!p1 [hbm:s0], $0x80, s4, s13, $0xb8;
	[tilespmem:$0x1B640] =	vst v63  }
0xe7: {  	_ =	swait.ge [sflag:s26], $0x6400  }
0xe8: {  	[sflag:s26] =	ssyncset.done $0x0  }
0xe9: {  	s19 =	sadd.s32 $0x2580, s15;
	[sflag:s26] =	ssyncadd.s32 $0xFFFF9C00  }
0xea: {  	[hbm4b:s19+s3] =	stream.linear.scatter [tilespmem:s21], [sflag:$0x8], $0x6400, $0x38;
	[tilespmem:$0x1B640] =	vst v63  }
0xeb: {  	_ =	swait.ge [sflag:s28], $0x6400  }
0xec: {  	[sflag:s28] =	ssyncset.done $0x0  }
0xed: {  	[sflag:s28] =	ssyncadd.s32 $0xFFFF9C00  }
0xee: {  	_ =	swait.ge [sflag:s29], $0x6400  }
0xef: {  	[sflag:s29] =	ssyncset.done $0x0  }
0xf0: {  	[sflag:s29] =	ssyncadd.s32 $0xFFFF9C00  }
0xf1: {  	_ =	swait.ge [sflag:s30], $0x6400  }
0xf2: {  	[sflag:s30] =	ssyncset.done $0x0  }
0xf3: {  	[sflag:s30] =	ssyncadd.s32 $0xFFFF9C00  }
0xf4: {  	_ =	swait.ge [sflag:s31], $0x6400  }
0xf5: {  	s1 =	sadd.s32 $0x1, s1;
	s20 =	rddreg [dreg:$0xa]  }
0xf6: {  	p1 =	sne.s32 s1, s20  }
.Ltmp1:
0xf7: {  	_ = 	snop;
	(pc) =	sbr.rel @p1 .LBB2_1-.Ltmp1, $3  }
0xf8: {  	_ =	sdelay $0x1  }
0xf9: {  	[sflag:s31] =	ssyncset.done $0x0  }
0xfa: {  	[sflag:s31] =	ssyncadd.s32 $0xFFFF9C00  }
0xfb: {  	_ =	sfence.sel $0x180000  }
0xfc: {  	[bflag:$0x0] =	sbarrier.arrive $0xFFFF  }
0xfd: {  	_ =	strace $0x90000047  }
0xfe: {  	[bflag:$0x2] =	sbarrier.arrive $0xFFFF  }
0xff: {  	s0 =	rddreg [dreg:$0x4]  }
0x100: {  	s0 =	sadd.s32 @!p0 $0x100000, s0  }
0x101: {  	[sflag:s0] =	ssyncadd.tile.s32 @!p0 $0x1;
	_ =	shalt  }
.Lfunc_end2:
_tile_overlayer_lowered:
.L_overlay_start_2:
0x102: {  	(tag) =	ssettag $0x2  }
0x103: {  	s0 =	rddreg [dreg:$0x0];
	s2 =	stileid.u32  }
0x104: {  	s1 =	rddreg [dreg:$0x1];
	p0 =	sne.s32 s2, $0x0  }
0x105: {  	s3 =	rddreg [dreg:$0x2];
	[bflag:$0x3] =	sbarrier.arrive $0xFFFF;
	s2 =	simm.s32 @!p0 $0x1C0D  }
0x106: {  	[timem:s3], [sflag:s2] =	dma.local @!p0 [hbm:s0], s1  }
0x107: {  	s0 =	simm.s32 @!p0 $0xD  }
0x108: {  	_ =	swait.ge @!p0 [sflag:s0], s1  }
0x109: {  	s1 =	ssub.s32 @!p0 $0x0, s1;
	[sflag:s0] =	ssyncset.done @!p0 $0x0  }
0x10a: {  	[sflag:s0] =	ssyncadd.s32 @!p0 s1  }
0x10b: {  	[bflag:$0x3] =	sbarrier.arrive $0xFFFF  }
0x10c: {  	_ =	shalt  }

</sc_bundles>
